<compile_context>
chip_gen: v7x
topology: tpu7x:2x2x1
jax: 0.10.2.dev20260603
libtpu: 0.0.44.dev20260713+nightly
codegen_flags: <defaults>
</compile_context>

<pallas_src>
import functools

import jax
import jax.numpy as jnp
from jax import lax
from jax.experimental import pallas as pl
from jax.experimental.pallas import tpu as pltpu
from jax.experimental.pallas import tpu_sc as plsc

_N = 16384
_C = 1000
_K = 4096
_INT_MIN = -2147483648

_N_SC = 8192
_N_TC = _N - _N_SC
_BLK = 1024
_TC_GRID = _N_TC // _BLK

_NW = 32
_ROWS_W = _N_SC // _NW
_CH = 16
_NCH = _ROWS_W // _CH
_FULL = _C // 16
_TAIL = _C - _FULL * 16


def _row_sums(buf, tgtb, sumsb, xtb, chunk):
    lanes = lax.iota(jnp.int32, 16)
    tailmask = lanes >= (16 - _TAIL)

    def row_body(rr, res):
        accs = [jnp.exp(buf[rr, pl.ds(c * 16, 16)]) for c in range(8)]
        for c in range(8, _FULL):
            accs[c % 8] = accs[c % 8] + jnp.exp(buf[rr, pl.ds(c * 16, 16)])
        tail = buf[rr, pl.ds(_C - 16, 16)]
        accs[_FULL % 8] = accs[_FULL % 8] + jnp.where(
            tailmask, jnp.exp(tail), jnp.float32(0.0))
        acc = ((accs[0] + accs[1]) + (accs[2] + accs[3])) + (
            (accs[4] + accs[5]) + (accs[6] + accs[7]))
        s = jnp.sum(acc)
        return jnp.where(lanes == rr, s, res)

    res = lax.fori_loop(0, _CH, row_body, jnp.zeros((16,), jnp.float32))
    sumsb[pl.ds(chunk * _CH, 16)] = res
    t_vec = tgtb[pl.ds(chunk * _CH, 16)]
    xtb[pl.ds(chunk * _CH, 16)] = plsc.load_gather(buf, [lanes, t_vec])


def _sc_ce(x_hbm, tgt_hbm, sums_out, xt_out,
           buf0, buf1, sumsb, xtb, tgtb, sem0, sem1):
    wid = lax.axis_index("s") * 2 + lax.axis_index("c")
    row0 = wid * _ROWS_W

    pltpu.sync_copy(tgt_hbm.at[pl.ds(row0, _ROWS_W)], tgtb)

    def chunk_src(g):
        gg = jnp.minimum(g, _NCH - 1)
        return x_hbm.at[pl.ds(row0 + gg * _CH, _CH), :]

    pltpu.async_copy(chunk_src(jnp.int32(0)), buf0, sem0)
    pltpu.async_copy(chunk_src(jnp.int32(1)), buf1, sem1)

    def outer(g, carry):
        g0 = g * 2
        pltpu.make_async_copy(chunk_src(g0), buf0, sem0).wait()
        _row_sums(buf0, tgtb, sumsb, xtb, g0)
        pltpu.async_copy(chunk_src(g0 + 2), buf0, sem0)

        g1 = g0 + 1
        pltpu.make_async_copy(chunk_src(g1), buf1, sem1).wait()
        _row_sums(buf1, tgtb, sumsb, xtb, g1)
        pltpu.async_copy(chunk_src(g1 + 2), buf1, sem1)
        return carry

    lax.fori_loop(0, _NCH // 2, outer, jnp.int32(0))

    pltpu.make_async_copy(chunk_src(jnp.int32(_NCH - 1)), buf0, sem0).wait()
    pltpu.make_async_copy(chunk_src(jnp.int32(_NCH - 1)), buf1, sem1).wait()

    pltpu.sync_copy(sumsb, sums_out.at[pl.ds(row0, _ROWS_W)])
    pltpu.sync_copy(xtb, xt_out.at[pl.ds(row0, _ROWS_W)])


def _tc_ce_body(x_ref, t_ref, loss_ref):
    x = x_ref[...]
    t = t_ref[0, 0, :]
    m = jnp.max(x, axis=1, keepdims=True)
    e = jnp.exp(x - m)
    logz = m[:, 0] + jnp.log(jnp.sum(e, axis=1))
    cols = lax.broadcasted_iota(jnp.int32, (_BLK, _C), 1)
    tgt = jnp.sum(jnp.where(cols == t[:, None], x, 0.0), axis=1)
    loss = logz - tgt
    loss_ref[...] = loss.reshape(_BLK // 128, 128)


def _select_body(tl_ref, s_ref, xt_ref, out_ref):
    L1 = tl_ref[...]
    L2 = jnp.log(s_ref[...]) - xt_ref[...]

    def keys_of(L):
        b = lax.bitcast_convert_type(L, jnp.int32)
        return jnp.where(b < 0, jnp.bitwise_not(b) ^ jnp.int32(_INT_MIN), b)

    k1, k2 = keys_of(L1), keys_of(L2)

    def step(i, tu):
        bit = jnp.int32(31) - i
        cand = tu | (jnp.int32(1) << bit)
        cand_s = cand ^ jnp.int32(_INT_MIN)
        cnt = (jnp.sum((k1 >= cand_s).astype(jnp.int32))
               + jnp.sum((k2 >= cand_s).astype(jnp.int32)))
        return jnp.where(cnt >= _K, cand, tu)

    tu = lax.fori_loop(0, 32, step, jnp.int32(0))
    tu_s = tu ^ jnp.int32(_INT_MIN)
    tb = jnp.where(tu < 0, tu ^ jnp.int32(_INT_MIN), jnp.bitwise_not(tu))
    tval = lax.bitcast_convert_type(tb, jnp.float32)

    g1, g2 = k1 > tu_s, k2 > tu_s
    cnt_gt = (jnp.sum(g1.astype(jnp.float32))
              + jnp.sum(g2.astype(jnp.float32)))
    sum_gt = (jnp.sum(jnp.where(g1, L1, 0.0))
              + jnp.sum(jnp.where(g2, L2, 0.0)))
    res = (sum_gt + (jnp.float32(_K) - cnt_gt) * tval) / _K
    out_ref[...] = res.reshape(1, 1)


@functools.partial(jax.jit)
def kernel(inputs, targets):
    mesh = plsc.VectorSubcoreMesh(core_axis_name="c", subcore_axis_name="s")
    sc_ce = functools.partial(
        pl.kernel,
        mesh=mesh,
        compiler_params=pltpu.CompilerParams(needs_layout_passes=False),
        out_type=[
            jax.ShapeDtypeStruct((_N_SC,), jnp.float32),
            jax.ShapeDtypeStruct((_N_SC,), jnp.float32),
        ],
        scratch_types=[
            pltpu.VMEM((_CH, _C), jnp.float32),
            pltpu.VMEM((_CH, _C), jnp.float32),
            pltpu.VMEM((_ROWS_W,), jnp.float32),
            pltpu.VMEM((_ROWS_W,), jnp.float32),
            pltpu.VMEM((_ROWS_W,), jnp.int32),
            pltpu.SemaphoreType.DMA,
            pltpu.SemaphoreType.DMA,
        ],
    )(_sc_ce)
    sums, xt = sc_ce(inputs, targets)

    t3 = targets.reshape(_N // _BLK, 1, _BLK)
    tc_loss = pl.pallas_call(
        _tc_ce_body,
        grid=(_TC_GRID,),
        in_specs=[
            pl.BlockSpec((_BLK, _C), lambda j: (j + _N_SC // _BLK, 0)),
            pl.BlockSpec((1, 1, _BLK), lambda j: (j + _N_SC // _BLK, 0, 0)),
        ],
        out_specs=pl.BlockSpec((_BLK // 128, 128), lambda j: (j, 0)),
        out_shape=jax.ShapeDtypeStruct((_N_TC // 128, 128), jnp.float32),
    )(inputs, t3)

    out = pl.pallas_call(
        _select_body,
        in_specs=[
            pl.BlockSpec((_N_TC // 128, 128), lambda: (0, 0)),
            pl.BlockSpec((_N_SC // 128, 128), lambda: (0, 0)),
            pl.BlockSpec((_N_SC // 128, 128), lambda: (0, 0)),
        ],
        out_specs=pl.BlockSpec((1, 1), lambda: (0, 0)),
        out_shape=jax.ShapeDtypeStruct((1, 1), jnp.float32),
    )(tc_loss, sums.reshape(_N_SC // 128, 128), xt.reshape(_N_SC // 128, 128))
    return out[0, 0]

# --- scband reference (transcript-rebuilt; emitter-appended) ---
"""Pipeline reference for scband-ohemloss-29360396435729 (READ-ONLY COPY).

The authoritative reference and input builder live on the scoring server;
editing this copy changes nothing except your own understanding.
"""

import jax, jax.numpy as jnp
import numpy as np

HARD_RATIO = 0.25
MIN_HARD_NUM = 4


def setup_inputs(seed: int = 0) -> dict:
    key = jax.random.key(seed)
    k1, k2 = jax.random.split(key)
    inputs = jax.random.normal(k1, (16384, 1000), dtype=jnp.float32)
    targets = jax.random.randint(k2, (16384,), 0, 1000, dtype=jnp.int32)
    return {"inputs": inputs, "targets": targets}


def _cross_entropy_per_sample(logits, targets):
    # CrossEntropyLoss with reduction='none': -log_softmax(logits)[target]
    logz = jax.nn.logsumexp(logits, axis=-1)
    tgt_logit = jnp.take_along_axis(logits, targets[:, None].astype(jnp.int32), axis=-1)[:, 0]
    return logz - tgt_logit


def reference(inputs, targets):
    # 1) per-sample loss without gradient tracking (torch.no_grad -> stop_gradient)
    per_sample_loss = jax.lax.stop_gradient(_cross_entropy_per_sample(inputs, targets))
    # 2) select hard indices via top-k on per-sample loss
    batch_size = inputs.shape[0]
    num_hard = max(int(batch_size * HARD_RATIO), min(MIN_HARD_NUM, batch_size))
    num_hard = min(num_hard, batch_size)
    _, hard_indices = jax.lax.top_k(per_sample_loss, num_hard)
    # 3) gather hard examples and recompute base loss on them
    hard_inputs = inputs[hard_indices]
    hard_targets = targets[hard_indices]
    hard_loss = _cross_entropy_per_sample(hard_inputs, hard_targets)
    # base CrossEntropyLoss default reduction='mean'; outer _apply_reduction('mean') on a scalar is a no-op
    return jnp.mean(hard_loss)

if __name__ == "__main__":
    import jax
    _d = setup_inputs()
    print(jax.jit(kernel)(*tuple(_d.values())))

</pallas_src>

<mosaic_0001>
#map = affine_map<(d0, d1) -> (0, 0)>
#map1 = affine_map<(d0, d1) -> (0)>
module attributes {stable_mosaic.version = 14 : i64} {
  func.func @_sc_ce(%arg0: i32, %arg1: i32, %arg2: memref<16384x1000xf32, #tpu.memory_space<hbm>>, %arg3: memref<16384xi32, #tpu.memory_space<hbm>>, %arg4: memref<8192xf32, #tpu.memory_space<hbm>>, %arg5: memref<8192xf32, #tpu.memory_space<hbm>>, %arg6: memref<16x1000xf32, #tpu.memory_space<vmem>>, %arg7: memref<16x1000xf32, #tpu.memory_space<vmem>>, %arg8: memref<256xf32, #tpu.memory_space<vmem>>, %arg9: memref<256xf32, #tpu.memory_space<vmem>>, %arg10: memref<256xi32, #tpu.memory_space<vmem>>, %arg11: memref<!tpu.dma_semaphore, #tpu.memory_space<semaphore_mem>>, %arg12: memref<!tpu.dma_semaphore, #tpu.memory_space<semaphore_mem>>) attributes {dimension_semantics = [#tpu.dimension_semantics<core_parallel>, #tpu.dimension_semantics<subcore_parallel>], iteration_bounds = array<i64: 2, 16>, scalar_prefetch = 0 : i64, scratch_operands = 7 : i64, tpu.core_type = #tpu.core_type<sc_vector_subcore>, window_params = [{transform_indices = #map}, {transform_indices = #map1}, {transform_indices = #map1}, {transform_indices = #map1}]} {
    %mul3A = arith.constant 2 : i32
    %mul3A_0 = arith.muli %arg1, %mul3A : i32
    %add3A = arith.addi %mul3A_0, %arg0 : i32
    %mul3A_1 = arith.constant 256 : i32
    %mul3A_2 = arith.muli %add3A, %mul3A_1 : i32
    "tpu.region"() ({
      %run_scoped3A = tpu.sem_alloc : memref<!tpu.dma_semaphore, #tpu.memory_space<semaphore_mem>>
      %dma_start3A_45 = tpu.memref_slice %arg3[%mul3A_2] : memref<16384xi32, #tpu.memory_space<hbm>> -> memref<256xi32, #tpu.memory_space<hbm>>
      %dma_start3A_46 = tpu.memref_slice %arg3[%mul3A_2] : memref<16384xi32, #tpu.memory_space<hbm>> -> memref<256xi32, #tpu.memory_space<hbm>>
      tpu.enqueue_dma source(%dma_start3A_46 : memref<256xi32, #tpu.memory_space<hbm>>) target(%arg10 : memref<256xi32, #tpu.memory_space<vmem>>) target_semaphore(%run_scoped3A : memref<!tpu.dma_semaphore, #tpu.memory_space<semaphore_mem>>)
      %dma_wait3A_47 = tpu.memref_slice %arg3[%mul3A_2] : memref<16384xi32, #tpu.memory_space<hbm>> -> memref<256xi32, #tpu.memory_space<hbm>>
      %dma_wait3A_48 = tpu.memref_slice %arg3[%mul3A_2] : memref<16384xi32, #tpu.memory_space<hbm>> -> memref<256xi32, #tpu.memory_space<hbm>>
      tpu.wait_dma2 semaphore(%run_scoped3A : memref<!tpu.dma_semaphore, #tpu.memory_space<semaphore_mem>>) src(%dma_wait3A_48 : memref<256xi32, #tpu.memory_space<hbm>>) dst(%arg10 : memref<256xi32, #tpu.memory_space<vmem>>)
      tpu.yield
    }) : () -> ()
    %min3A = arith.constant 0 : i32
    %min3A_3 = arith.constant 15 : i32
    %min3A_4 = arith.minsi %min3A, %min3A_3 : i32
    %mul3A_5 = arith.constant 16 : i32
    %mul3A_6 = arith.muli %min3A_4, %mul3A_5 : i32
    %add3A_7 = arith.addi %mul3A_2, %mul3A_6 : i32
    %dma_start3A = arith.constant 0 : i32
    %dma_start3A_8 = tpu.memref_slice %arg2[%add3A_7, %dma_start3A] : memref<16384x1000xf32, #tpu.memory_space<hbm>> -> memref<16x1000xf32, #tpu.memory_space<hbm>>
    %dma_start3A_9 = arith.constant 0 : i32
    %dma_start3A_10 = tpu.memref_slice %arg2[%add3A_7, %dma_start3A_9] : memref<16384x1000xf32, #tpu.memory_space<hbm>> -> memref<16x1000xf32, #tpu.memory_space<hbm>>
    tpu.enqueue_dma source(%dma_start3A_10 : memref<16x1000xf32, #tpu.memory_space<hbm>>) target(%arg6 : memref<16x1000xf32, #tpu.memory_space<vmem>>) target_semaphore(%arg11 : memref<!tpu.dma_semaphore, #tpu.memory_space<semaphore_mem>>)
    %min3A_11 = arith.constant 1 : i32
    %min3A_12 = arith.constant 15 : i32
    %min3A_13 = arith.minsi %min3A_11, %min3A_12 : i32
    %mul3A_14 = arith.constant 16 : i32
    %mul3A_15 = arith.muli %min3A_13, %mul3A_14 : i32
    %add3A_16 = arith.addi %mul3A_2, %mul3A_15 : i32
    %dma_start3A_17 = arith.constant 0 : i32
    %dma_start3A_18 = tpu.memref_slice %arg2[%add3A_16, %dma_start3A_17] : memref<16384x1000xf32, #tpu.memory_space<hbm>> -> memref<16x1000xf32, #tpu.memory_space<hbm>>
    %dma_start3A_19 = arith.constant 0 : i32
    %dma_start3A_20 = tpu.memref_slice %arg2[%add3A_16, %dma_start3A_19] : memref<16384x1000xf32, #tpu.memory_space<hbm>> -> memref<16x1000xf32, #tpu.memory_space<hbm>>
    tpu.enqueue_dma source(%dma_start3A_20 : memref<16x1000xf32, #tpu.memory_space<hbm>>) target(%arg7 : memref<16x1000xf32, #tpu.memory_space<vmem>>) target_semaphore(%arg12 : memref<!tpu.dma_semaphore, #tpu.memory_space<semaphore_mem>>)
    %scan3A = arith.constant 0 : i32
    %scan3A_21 = arith.constant 0 : i32
    %scan3A_22 = arith.constant 8 : i32
    %scan3A_23 = arith.addi %scan3A_21, %scan3A_22 : i32
    %scan3A_24 = arith.constant 1 : i32
    scf.for %scan3A_45 = %scan3A_21 to %scan3A_23 step %scan3A_24  : i32 {
      %mul3A_46 = arith.constant 2 : i32
      %mul3A_47 = arith.muli %scan3A_45, %mul3A_46 : i32
      %min3A_48 = arith.constant 15 : i32
      %min3A_49 = arith.minsi %mul3A_47, %min3A_48 : i32
      %mul3A_50 = arith.constant 16 : i32
      %mul3A_51 = arith.muli %min3A_49, %mul3A_50 : i32
      %add3A_52 = arith.addi %mul3A_2, %mul3A_51 : i32
      %dma_wait3A_53 = arith.constant 0 : i32
      %dma_wait3A_54 = tpu.memref_slice %arg2[%add3A_52, %dma_wait3A_53] : memref<16384x1000xf32, #tpu.memory_space<hbm>> -> memref<16x1000xf32, #tpu.memory_space<hbm>>
      %dma_wait3A_55 = arith.constant 0 : i32
      %dma_wait3A_56 = tpu.memref_slice %arg2[%add3A_52, %dma_wait3A_55] : memref<16384x1000xf32, #tpu.memory_space<hbm>> -> memref<16x1000xf32, #tpu.memory_space<hbm>>
      tpu.wait_dma2 semaphore(%arg11 : memref<!tpu.dma_semaphore, #tpu.memory_space<semaphore_mem>>) src(%dma_wait3A_56 : memref<16x1000xf32, #tpu.memory_space<hbm>>) dst(%arg6 : memref<16x1000xf32, #tpu.memory_space<vmem>>)
      %iota3A = tpu.iota {dimensions = array<i32: 0>} : vector<16xi32>
      %ge3A = arith.constant 8 : i32
      %ge3A_57 = vector.broadcast %ge3A : i32 to vector<16xi32>
      %ge3A_58 = arith.cmpi sge, %iota3A, %ge3A_57 : vector<16xi32>
      %broadcast_in_dim3A = arith.constant 0.000000e+00 : f32
      %broadcast_in_dim3A_59 = vector.broadcast %broadcast_in_dim3A : f32 to vector<16xf32>
      %scan3A_60 = arith.constant 0 : i32
      %scan3A_61 = arith.constant 16 : i32
      %scan3A_62 = arith.addi %scan3A_60, %scan3A_61 : i32
      %scan3A_63 = arith.constant 1 : i32
      %scan3A_64 = scf.for %scan3A_134 = %scan3A_60 to %scan3A_62 step %scan3A_63 iter_args(%scan3A_135 = %broadcast_in_dim3A_59) -> (vector<16xf32>)  : i32 {
        %get3A_136 = arith.index_cast %scan3A_134 : i32 to index
        %get3A_137 = arith.constant 0 : index
        %get3A_138 = tpu.vector_load %arg6[%get3A_136, %get3A_137] {strides = array<i32>} : memref<16x1000xf32, #tpu.memory_space<vmem>>, vector<16xf32>,
        %exp3A = math.exp %get3A_138 : vector<16xf32>
        %get3A_139 = arith.index_cast %scan3A_134 : i32 to index
        %get3A_140 = arith.constant 16 : index
        %get3A_141 = tpu.vector_load %arg6[%get3A_139, %get3A_140] {strides = array<i32>} : memref<16x1000xf32, #tpu.memory_space<vmem>>, vector<16xf32>,
        %exp3A_142 = math.exp %get3A_141 : vector<16xf32>
        %get3A_143 = arith.index_cast %scan3A_134 : i32 to index
        %get3A_144 = arith.constant 32 : index
        %get3A_145 = tpu.vector_load %arg6[%get3A_143, %get3A_144] {strides = array<i32>} : memref<16x1000xf32, #tpu.memory_space<vmem>>, vector<16xf32>,
        %exp3A_146 = math.exp %get3A_145 : vector<16xf32>
        %get3A_147 = arith.index_cast %scan3A_134 : i32 to index
        %get3A_148 = arith.constant 48 : index
        %get3A_149 = tpu.vector_load %arg6[%get3A_147, %get3A_148] {strides = array<i32>} : memref<16x1000xf32, #tpu.memory_space<vmem>>, vector<16xf32>,
        %exp3A_150 = math.exp %get3A_149 : vector<16xf32>
        %get3A_151 = arith.index_cast %scan3A_134 : i32 to index
        %get3A_152 = arith.constant 64 : index
        %get3A_153 = tpu.vector_load %arg6[%get3A_151, %get3A_152] {strides = array<i32>} : memref<16x1000xf32, #tpu.memory_space<vmem>>, vector<16xf32>,
        %exp3A_154 = math.exp %get3A_153 : vector<16xf32>
        %get3A_155 = arith.index_cast %scan3A_134 : i32 to index
        %get3A_156 = arith.constant 80 : index
        %get3A_157 = tpu.vector_load %arg6[%get3A_155, %get3A_156] {strides = array<i32>} : memref<16x1000xf32, #tpu.memory_space<vmem>>, vector<16xf32>,
        %exp3A_158 = math.exp %get3A_157 : vector<16xf32>
        %get3A_159 = arith.index_cast %scan3A_134 : i32 to index
        %get3A_160 = arith.constant 96 : index
        %get3A_161 = tpu.vector_load %arg6[%get3A_159, %get3A_160] {strides = array<i32>} : memref<16x1000xf32, #tpu.memory_space<vmem>>, vector<16xf32>,
        %exp3A_162 = math.exp %get3A_161 : vector<16xf32>
        %get3A_163 = arith.index_cast %scan3A_134 : i32 to index
        %get3A_164 = arith.constant 112 : index
        %get3A_165 = tpu.vector_load %arg6[%get3A_163, %get3A_164] {strides = array<i32>} : memref<16x1000xf32, #tpu.memory_space<vmem>>, vector<16xf32>,
        %exp3A_166 = math.exp %get3A_165 : vector<16xf32>
        %get3A_167 = arith.index_cast %scan3A_134 : i32 to index
        %get3A_168 = arith.constant 128 : index
        %get3A_169 = tpu.vector_load %arg6[%get3A_167, %get3A_168] {strides = array<i32>} : memref<16x1000xf32, #tpu.memory_space<vmem>>, vector<16xf32>,
        %exp3A_170 = math.exp %get3A_169 : vector<16xf32>
        %add3A_171 = arith.addf %exp3A, %exp3A_170 : vector<16xf32>
        %get3A_172 = arith.index_cast %scan3A_134 : i32 to index
        %get3A_173 = arith.constant 144 : index
        %get3A_174 = tpu.vector_load %arg6[%get3A_172, %get3A_173] {strides = array<i32>} : memref<16x1000xf32, #tpu.memory_space<vmem>>, vector<16xf32>,
        %exp3A_175 = math.exp %get3A_174 : vector<16xf32>
        %add3A_176 = arith.addf %exp3A_142, %exp3A_175 : vector<16xf32>
        %get3A_177 = arith.index_cast %scan3A_134 : i32 to index
        %get3A_178 = arith.constant 160 : index
        %get3A_179 = tpu.vector_load %arg6[%get3A_177, %get3A_178] {strides = array<i32>} : memref<16x1000xf32, #tpu.memory_space<vmem>>, vector<16xf32>,
        %exp3A_180 = math.exp %get3A_179 : vector<16xf32>
        %add3A_181 = arith.addf %exp3A_146, %exp3A_180 : vector<16xf32>
        %get3A_182 = arith.index_cast %scan3A_134 : i32 to index
        %get3A_183 = arith.constant 176 : index
        %get3A_184 = tpu.vector_load %arg6[%get3A_182, %get3A_183] {strides = array<i32>} : memref<16x1000xf32, #tpu.memory_space<vmem>>, vector<16xf32>,
        %exp3A_185 = math.exp %get3A_184 : vector<16xf32>
        %add3A_186 = arith.addf %exp3A_150, %exp3A_185 : vector<16xf32>
        %get3A_187 = arith.index_cast %scan3A_134 : i32 to index
        %get3A_188 = arith.constant 192 : index
        %get3A_189 = tpu.vector_load %arg6[%get3A_187, %get3A_188] {strides = array<i32>} : memref<16x1000xf32, #tpu.memory_space<vmem>>, vector<16xf32>,
        %exp3A_190 = math.exp %get3A_189 : vector<16xf32>
        %add3A_191 = arith.addf %exp3A_154, %exp3A_190 : vector<16xf32>
        %get3A_192 = arith.index_cast %scan3A_134 : i32 to index
        %get3A_193 = arith.constant 208 : index
        %get3A_194 = tpu.vector_load %arg6[%get3A_192, %get3A_193] {strides = array<i32>} : memref<16x1000xf32, #tpu.memory_space<vmem>>, vector<16xf32>,
        %exp3A_195 = math.exp %get3A_194 : vector<16xf32>
        %add3A_196 = arith.addf %exp3A_158, %exp3A_195 : vector<16xf32>
        %get3A_197 = arith.index_cast %scan3A_134 : i32 to index
        %get3A_198 = arith.constant 224 : index
        %get3A_199 = tpu.vector_load %arg6[%get3A_197, %get3A_198] {strides = array<i32>} : memref<16x1000xf32, #tpu.memory_space<vmem>>, vector<16xf32>,
        %exp3A_200 = math.exp %get3A_199 : vector<16xf32>
        %add3A_201 = arith.addf %exp3A_162, %exp3A_200 : vector<16xf32>
        %get3A_202 = arith.index_cast %scan3A_134 : i32 to index
        %get3A_203 = arith.constant 240 : index
        %get3A_204 = tpu.vector_load %arg6[%get3A_202, %get3A_203] {strides = array<i32>} : memref<16x1000xf32, #tpu.memory_space<vmem>>, vector<16xf32>,
        %exp3A_205 = math.exp %get3A_204 : vector<16xf32>
        %add3A_206 = arith.addf %exp3A_166, %exp3A_205 : vector<16xf32>
        %get3A_207 = arith.index_cast %scan3A_134 : i32 to index
        %get3A_208 = arith.constant 256 : index
        %get3A_209 = tpu.vector_load %arg6[%get3A_207, %get3A_208] {strides = array<i32>} : memref<16x1000xf32, #tpu.memory_space<vmem>>, vector<16xf32>,
        %exp3A_210 = math.exp %get3A_209 : vector<16xf32>
        %add3A_211 = arith.addf %add3A_171, %exp3A_210 : vector<16xf32>
        %get3A_212 = arith.index_cast %scan3A_134 : i32 to index
        %get3A_213 = arith.constant 272 : index
        %get3A_214 = tpu.vector_load %arg6[%get3A_212, %get3A_213] {strides = array<i32>} : memref<16x1000xf32, #tpu.memory_space<vmem>>, vector<16xf32>,
        %exp3A_215 = math.exp %get3A_214 : vector<16xf32>
        %add3A_216 = arith.addf %add3A_176, %exp3A_215 : vector<16xf32>
        %get3A_217 = arith.index_cast %scan3A_134 : i32 to index
        %get3A_218 = arith.constant 288 : index
        %get3A_219 = tpu.vector_load %arg6[%get3A_217, %get3A_218] {strides = array<i32>} : memref<16x1000xf32, #tpu.memory_space<vmem>>, vector<16xf32>,
        %exp3A_220 = math.exp %get3A_219 : vector<16xf32>
        %add3A_221 = arith.addf %add3A_181, %exp3A_220 : vector<16xf32>
        %get3A_222 = arith.index_cast %scan3A_134 : i32 to index
        %get3A_223 = arith.constant 304 : index
        %get3A_224 = tpu.vector_load %arg6[%get3A_222, %get3A_223] {strides = array<i32>} : memref<16x1000xf32, #tpu.memory_space<vmem>>, vector<16xf32>,
        %exp3A_225 = math.exp %get3A_224 : vector<16xf32>
        %add3A_226 = arith.addf %add3A_186, %exp3A_225 : vector<16xf32>
        %get3A_227 = arith.index_cast %scan3A_134 : i32 to index
        %get3A_228 = arith.constant 320 : index
        %get3A_229 = tpu.vector_load %arg6[%get3A_227, %get3A_228] {strides = array<i32>} : memref<16x1000xf32, #tpu.memory_space<vmem>>, vector<16xf32>,
        %exp3A_230 = math.exp %get3A_229 : vector<16xf32>
        %add3A_231 = arith.addf %add3A_191, %exp3A_230 : vector<16xf32>
        %get3A_232 = arith.index_cast %scan3A_134 : i32 to index
        %get3A_233 = arith.constant 336 : index
        %get3A_234 = tpu.vector_load %arg6[%get3A_232, %get3A_233] {strides = array<i32>} : memref<16x1000xf32, #tpu.memory_space<vmem>>, vector<16xf32>,
        %exp3A_235 = math.exp %get3A_234 : vector<16xf32>
        %add3A_236 = arith.addf %add3A_196, %exp3A_235 : vector<16xf32>
        %get3A_237 = arith.index_cast %scan3A_134 : i32 to index
        %get3A_238 = arith.constant 352 : index
        %get3A_239 = tpu.vector_load %arg6[%get3A_237, %get3A_238] {strides = array<i32>} : memref<16x1000xf32, #tpu.memory_space<vmem>>, vector<16xf32>,
        %exp3A_240 = math.exp %get3A_239 : vector<16xf32>
        %add3A_241 = arith.addf %add3A_201, %exp3A_240 : vector<16xf32>
        %get3A_242 = arith.index_cast %scan3A_134 : i32 to index
        %get3A_243 = arith.constant 368 : index
        %get3A_244 = tpu.vector_load %arg6[%get3A_242, %get3A_243] {strides = array<i32>} : memref<16x1000xf32, #tpu.memory_space<vmem>>, vector<16xf32>,
        %exp3A_245 = math.exp %get3A_244 : vector<16xf32>
        %add3A_246 = arith.addf %add3A_206, %exp3A_245 : vector<16xf32>
        %get3A_247 = arith.index_cast %scan3A_134 : i32 to index
        %get3A_248 = arith.constant 384 : index
        %get3A_249 = tpu.vector_load %arg6[%get3A_247, %get3A_248] {strides = array<i32>} : memref<16x1000xf32, #tpu.memory_space<vmem>>, vector<16xf32>,
        %exp3A_250 = math.exp %get3A_249 : vector<16xf32>
        %add3A_251 = arith.addf %add3A_211, %exp3A_250 : vector<16xf32>
        %get3A_252 = arith.index_cast %scan3A_134 : i32 to index
        %get3A_253 = arith.constant 400 : index
        %get3A_254 = tpu.vector_load %arg6[%get3A_252, %get3A_253] {strides = array<i32>} : memref<16x1000xf32, #tpu.memory_space<vmem>>, vector<16xf32>,
        %exp3A_255 = math.exp %get3A_254 : vector<16xf32>
        %add3A_256 = arith.addf %add3A_216, %exp3A_255 : vector<16xf32>
        %get3A_257 = arith.index_cast %scan3A_134 : i32 to index
        %get3A_258 = arith.constant 416 : index
        %get3A_259 = tpu.vector_load %arg6[%get3A_257, %get3A_258] {strides = array<i32>} : memref<16x1000xf32, #tpu.memory_space<vmem>>, vector<16xf32>,
        %exp3A_260 = math.exp %get3A_259 : vector<16xf32>
        %add3A_261 = arith.addf %add3A_221, %exp3A_260 : vector<16xf32>
        %get3A_262 = arith.index_cast %scan3A_134 : i32 to index
        %get3A_263 = arith.constant 432 : index
        %get3A_264 = tpu.vector_load %arg6[%get3A_262, %get3A_263] {strides = array<i32>} : memref<16x1000xf32, #tpu.memory_space<vmem>>, vector<16xf32>,
        %exp3A_265 = math.exp %get3A_264 : vector<16xf32>
        %add3A_266 = arith.addf %add3A_226, %exp3A_265 : vector<16xf32>
        %get3A_267 = arith.index_cast %scan3A_134 : i32 to index
        %get3A_268 = arith.constant 448 : index
        %get3A_269 = tpu.vector_load %arg6[%get3A_267, %get3A_268] {strides = array<i32>} : memref<16x1000xf32, #tpu.memory_space<vmem>>, vector<16xf32>,
        %exp3A_270 = math.exp %get3A_269 : vector<16xf32>
        %add3A_271 = arith.addf %add3A_231, %exp3A_270 : vector<16xf32>
        %get3A_272 = arith.index_cast %scan3A_134 : i32 to index
        %get3A_273 = arith.constant 464 : index
        %get3A_274 = tpu.vector_load %arg6[%get3A_272, %get3A_273] {strides = array<i32>} : memref<16x1000xf32, #tpu.memory_space<vmem>>, vector<16xf32>,
        %exp3A_275 = math.exp %get3A_274 : vector<16xf32>
        %add3A_276 = arith.addf %add3A_236, %exp3A_275 : vector<16xf32>
        %get3A_277 = arith.index_cast %scan3A_134 : i32 to index
        %get3A_278 = arith.constant 480 : index
        %get3A_279 = tpu.vector_load %arg6[%get3A_277, %get3A_278] {strides = array<i32>} : memref<16x1000xf32, #tpu.memory_space<vmem>>, vector<16xf32>,
        %exp3A_280 = math.exp %get3A_279 : vector<16xf32>
        %add3A_281 = arith.addf %add3A_241, %exp3A_280 : vector<16xf32>
        %get3A_282 = arith.index_cast %scan3A_134 : i32 to index
        %get3A_283 = arith.constant 496 : index
        %get3A_284 = tpu.vector_load %arg6[%get3A_282, %get3A_283] {strides = array<i32>} : memref<16x1000xf32, #tpu.memory_space<vmem>>, vector<16xf32>,
        %exp3A_285 = math.exp %get3A_284 : vector<16xf32>
        %add3A_286 = arith.addf %add3A_246, %exp3A_285 : vector<16xf32>
        %get3A_287 = arith.index_cast %scan3A_134 : i32 to index
        %get3A_288 = arith.constant 512 : index
        %get3A_289 = tpu.vector_load %arg6[%get3A_287, %get3A_288] {strides = array<i32>} : memref<16x1000xf32, #tpu.memory_space<vmem>>, vector<16xf32>,
        %exp3A_290 = math.exp %get3A_289 : vector<16xf32>
        %add3A_291 = arith.addf %add3A_251, %exp3A_290 : vector<16xf32>
        %get3A_292 = arith.index_cast %scan3A_134 : i32 to index
        %get3A_293 = arith.constant 528 : index
        %get3A_294 = tpu.vector_load %arg6[%get3A_292, %get3A_293] {strides = array<i32>} : memref<16x1000xf32, #tpu.memory_space<vmem>>, vector<16xf32>,
        %exp3A_295 = math.exp %get3A_294 : vector<16xf32>
        %add3A_296 = arith.addf %add3A_256, %exp3A_295 : vector<16xf32>
        %get3A_297 = arith.index_cast %scan3A_134 : i32 to index
        %get3A_298 = arith.constant 544 : index
        %get3A_299 = tpu.vector_load %arg6[%get3A_297, %get3A_298] {strides = array<i32>} : memref<16x1000xf32, #tpu.memory_space<vmem>>, vector<16xf32>,
        %exp3A_300 = math.exp %get3A_299 : vector<16xf32>
        %add3A_301 = arith.addf %add3A_261, %exp3A_300 : vector<16xf32>
        %get3A_302 = arith.index_cast %scan3A_134 : i32 to index
        %get3A_303 = arith.constant 560 : index
        %get3A_304 = tpu.vector_load %arg6[%get3A_302, %get3A_303] {strides = array<i32>} : memref<16x1000xf32, #tpu.memory_space<vmem>>, vector<16xf32>,
        %exp3A_305 = math.exp %get3A_304 : vector<16xf32>
        %add3A_306 = arith.addf %add3A_266, %exp3A_305 : vector<16xf32>
        %get3A_307 = arith.index_cast %scan3A_134 : i32 to index
        %get3A_308 = arith.constant 576 : index
        %get3A_309 = tpu.vector_load %arg6[%get3A_307, %get3A_308] {strides = array<i32>} : memref<16x1000xf32, #tpu.memory_space<vmem>>, vector<16xf32>,
        %exp3A_310 = math.exp %get3A_309 : vector<16xf32>
        %add3A_311 = arith.addf %add3A_271, %exp3A_310 : vector<16xf32>
        %get3A_312 = arith.index_cast %scan3A_134 : i32 to index
        %get3A_313 = arith.constant 592 : index
        %get3A_314 = tpu.vector_load %arg6[%get3A_312, %get3A_313] {strides = array<i32>} : memref<16x1000xf32, #tpu.memory_space<vmem>>, vector<16xf32>,
        %exp3A_315 = math.exp %get3A_314 : vector<16xf32>
        %add3A_316 = arith.addf %add3A_276, %exp3A_315 : vector<16xf32>
        %get3A_317 = arith.index_cast %scan3A_134 : i32 to index
        %get3A_318 = arith.constant 608 : index
        %get3A_319 = tpu.vector_load %arg6[%get3A_317, %get3A_318] {strides = array<i32>} : memref<16x1000xf32, #tpu.memory_space<vmem>>, vector<16xf32>,
        %exp3A_320 = math.exp %get3A_319 : vector<16xf32>
        %add3A_321 = arith.addf %add3A_281, %exp3A_320 : vector<16xf32>
        %get3A_322 = arith.index_cast %scan3A_134 : i32 to index
        %get3A_323 = arith.constant 624 : index
        %get3A_324 = tpu.vector_load %arg6[%get3A_322, %get3A_323] {strides = array<i32>} : memref<16x1000xf32, #tpu.memory_space<vmem>>, vector<16xf32>,
        %exp3A_325 = math.exp %get3A_324 : vector<16xf32>
        %add3A_326 = arith.addf %add3A_286, %exp3A_325 : vector<16xf32>
        %get3A_327 = arith.index_cast %scan3A_134 : i32 to index
        %get3A_328 = arith.constant 640 : index
        %get3A_329 = tpu.vector_load %arg6[%get3A_327, %get3A_328] {strides = array<i32>} : memref<16x1000xf32, #tpu.memory_space<vmem>>, vector<16xf32>,
        %exp3A_330 = math.exp %get3A_329 : vector<16xf32>
        %add3A_331 = arith.addf %add3A_291, %exp3A_330 : vector<16xf32>
        %get3A_332 = arith.index_cast %scan3A_134 : i32 to index
        %get3A_333 = arith.constant 656 : index
        %get3A_334 = tpu.vector_load %arg6[%get3A_332, %get3A_333] {strides = array<i32>} : memref<16x1000xf32, #tpu.memory_space<vmem>>, vector<16xf32>,
        %exp3A_335 = math.exp %get3A_334 : vector<16xf32>
        %add3A_336 = arith.addf %add3A_296, %exp3A_335 : vector<16xf32>
        %get3A_337 = arith.index_cast %scan3A_134 : i32 to index
        %get3A_338 = arith.constant 672 : index
        %get3A_339 = tpu.vector_load %arg6[%get3A_337, %get3A_338] {strides = array<i32>} : memref<16x1000xf32, #tpu.memory_space<vmem>>, vector<16xf32>,
        %exp3A_340 = math.exp %get3A_339 : vector<16xf32>
        %add3A_341 = arith.addf %add3A_301, %exp3A_340 : vector<16xf32>
        %get3A_342 = arith.index_cast %scan3A_134 : i32 to index
        %get3A_343 = arith.constant 688 : index
        %get3A_344 = tpu.vector_load %arg6[%get3A_342, %get3A_343] {strides = array<i32>} : memref<16x1000xf32, #tpu.memory_space<vmem>>, vector<16xf32>,
        %exp3A_345 = math.exp %get3A_344 : vector<16xf32>
        %add3A_346 = arith.addf %add3A_306, %exp3A_345 : vector<16xf32>
        %get3A_347 = arith.index_cast %scan3A_134 : i32 to index
        %get3A_348 = arith.constant 704 : index
        %get3A_349 = tpu.vector_load %arg6[%get3A_347, %get3A_348] {strides = array<i32>} : memref<16x1000xf32, #tpu.memory_space<vmem>>, vector<16xf32>,
        %exp3A_350 = math.exp %get3A_349 : vector<16xf32>
        %add3A_351 = arith.addf %add3A_311, %exp3A_350 : vector<16xf32>
        %get3A_352 = arith.index_cast %scan3A_134 : i32 to index
        %get3A_353 = arith.constant 720 : index
        %get3A_354 = tpu.vector_load %arg6[%get3A_352, %get3A_353] {strides = array<i32>} : memref<16x1000xf32, #tpu.memory_space<vmem>>, vector<16xf32>,
        %exp3A_355 = math.exp %get3A_354 : vector<16xf32>
        %add3A_356 = arith.addf %add3A_316, %exp3A_355 : vector<16xf32>
        %get3A_357 = arith.index_cast %scan3A_134 : i32 to index
        %get3A_358 = arith.constant 736 : index
        %get3A_359 = tpu.vector_load %arg6[%get3A_357, %get3A_358] {strides = array<i32>} : memref<16x1000xf32, #tpu.memory_space<vmem>>, vector<16xf32>,
        %exp3A_360 = math.exp %get3A_359 : vector<16xf32>
        %add3A_361 = arith.addf %add3A_321, %exp3A_360 : vector<16xf32>
        %get3A_362 = arith.index_cast %scan3A_134 : i32 to index
        %get3A_363 = arith.constant 752 : index
        %get3A_364 = tpu.vector_load %arg6[%get3A_362, %get3A_363] {strides = array<i32>} : memref<16x1000xf32, #tpu.memory_space<vmem>>, vector<16xf32>,
        %exp3A_365 = math.exp %get3A_364 : vector<16xf32>
        %add3A_366 = arith.addf %add3A_326, %exp3A_365 : vector<16xf32>
        %get3A_367 = arith.index_cast %scan3A_134 : i32 to index
        %get3A_368 = arith.constant 768 : index
        %get3A_369 = tpu.vector_load %arg6[%get3A_367, %get3A_368] {strides = array<i32>} : memref<16x1000xf32, #tpu.memory_space<vmem>>, vector<16xf32>,
        %exp3A_370 = math.exp %get3A_369 : vector<16xf32>
        %add3A_371 = arith.addf %add3A_331, %exp3A_370 : vector<16xf32>
        %get3A_372 = arith.index_cast %scan3A_134 : i32 to index
        %get3A_373 = arith.constant 784 : index
        %get3A_374 = tpu.vector_load %arg6[%get3A_372, %get3A_373] {strides = array<i32>} : memref<16x1000xf32, #tpu.memory_space<vmem>>, vector<16xf32>,
        %exp3A_375 = math.exp %get3A_374 : vector<16xf32>
        %add3A_376 = arith.addf %add3A_336, %exp3A_375 : vector<16xf32>
        %get3A_377 = arith.index_cast %scan3A_134 : i32 to index
        %get3A_378 = arith.constant 800 : index
        %get3A_379 = tpu.vector_load %arg6[%get3A_377, %get3A_378] {strides = array<i32>} : memref<16x1000xf32, #tpu.memory_space<vmem>>, vector<16xf32>,
        %exp3A_380 = math.exp %get3A_379 : vector<16xf32>
        %add3A_381 = arith.addf %add3A_341, %exp3A_380 : vector<16xf32>
        %get3A_382 = arith.index_cast %scan3A_134 : i32 to index
        %get3A_383 = arith.constant 816 : index
        %get3A_384 = tpu.vector_load %arg6[%get3A_382, %get3A_383] {strides = array<i32>} : memref<16x1000xf32, #tpu.memory_space<vmem>>, vector<16xf32>,
        %exp3A_385 = math.exp %get3A_384 : vector<16xf32>
        %add3A_386 = arith.addf %add3A_346, %exp3A_385 : vector<16xf32>
        %get3A_387 = arith.index_cast %scan3A_134 : i32 to index
        %get3A_388 = arith.constant 832 : index
        %get3A_389 = tpu.vector_load %arg6[%get3A_387, %get3A_388] {strides = array<i32>} : memref<16x1000xf32, #tpu.memory_space<vmem>>, vector<16xf32>,
        %exp3A_390 = math.exp %get3A_389 : vector<16xf32>
        %add3A_391 = arith.addf %add3A_351, %exp3A_390 : vector<16xf32>
        %get3A_392 = arith.index_cast %scan3A_134 : i32 to index
        %get3A_393 = arith.constant 848 : index
        %get3A_394 = tpu.vector_load %arg6[%get3A_392, %get3A_393] {strides = array<i32>} : memref<16x1000xf32, #tpu.memory_space<vmem>>, vector<16xf32>,
        %exp3A_395 = math.exp %get3A_394 : vector<16xf32>
        %add3A_396 = arith.addf %add3A_356, %exp3A_395 : vector<16xf32>
        %get3A_397 = arith.index_cast %scan3A_134 : i32 to index
        %get3A_398 = arith.constant 864 : index
        %get3A_399 = tpu.vector_load %arg6[%get3A_397, %get3A_398] {strides = array<i32>} : memref<16x1000xf32, #tpu.memory_space<vmem>>, vector<16xf32>,
        %exp3A_400 = math.exp %get3A_399 : vector<16xf32>
        %add3A_401 = arith.addf %add3A_361, %exp3A_400 : vector<16xf32>
        %get3A_402 = arith.index_cast %scan3A_134 : i32 to index
        %get3A_403 = arith.constant 880 : index
        %get3A_404 = tpu.vector_load %arg6[%get3A_402, %get3A_403] {strides = array<i32>} : memref<16x1000xf32, #tpu.memory_space<vmem>>, vector<16xf32>,
        %exp3A_405 = math.exp %get3A_404 : vector<16xf32>
        %add3A_406 = arith.addf %add3A_366, %exp3A_405 : vector<16xf32>
        %get3A_407 = arith.index_cast %scan3A_134 : i32 to index
        %get3A_408 = arith.constant 896 : index
        %get3A_409 = tpu.vector_load %arg6[%get3A_407, %get3A_408] {strides = array<i32>} : memref<16x1000xf32, #tpu.memory_space<vmem>>, vector<16xf32>,
        %exp3A_410 = math.exp %get3A_409 : vector<16xf32>
        %add3A_411 = arith.addf %add3A_371, %exp3A_410 : vector<16xf32>
        %get3A_412 = arith.index_cast %scan3A_134 : i32 to index
        %get3A_413 = arith.constant 912 : index
        %get3A_414 = tpu.vector_load %arg6[%get3A_412, %get3A_413] {strides = array<i32>} : memref<16x1000xf32, #tpu.memory_space<vmem>>, vector<16xf32>,
        %exp3A_415 = math.exp %get3A_414 : vector<16xf32>
        %add3A_416 = arith.addf %add3A_376, %exp3A_415 : vector<16xf32>
        %get3A_417 = arith.index_cast %scan3A_134 : i32 to index
        %get3A_418 = arith.constant 928 : index
        %get3A_419 = tpu.vector_load %arg6[%get3A_417, %get3A_418] {strides = array<i32>} : memref<16x1000xf32, #tpu.memory_space<vmem>>, vector<16xf32>,
        %exp3A_420 = math.exp %get3A_419 : vector<16xf32>
        %add3A_421 = arith.addf %add3A_381, %exp3A_420 : vector<16xf32>
        %get3A_422 = arith.index_cast %scan3A_134 : i32 to index
        %get3A_423 = arith.constant 944 : index
        %get3A_424 = tpu.vector_load %arg6[%get3A_422, %get3A_423] {strides = array<i32>} : memref<16x1000xf32, #tpu.memory_space<vmem>>, vector<16xf32>,
        %exp3A_425 = math.exp %get3A_424 : vector<16xf32>
        %add3A_426 = arith.addf %add3A_386, %exp3A_425 : vector<16xf32>
        %get3A_427 = arith.index_cast %scan3A_134 : i32 to index
        %get3A_428 = arith.constant 960 : index
        %get3A_429 = tpu.vector_load %arg6[%get3A_427, %get3A_428] {strides = array<i32>} : memref<16x1000xf32, #tpu.memory_space<vmem>>, vector<16xf32>,
        %exp3A_430 = math.exp %get3A_429 : vector<16xf32>
        %add3A_431 = arith.addf %add3A_391, %exp3A_430 : vector<16xf32>
        %get3A_432 = arith.index_cast %scan3A_134 : i32 to index
        %get3A_433 = arith.constant 976 : index
        %get3A_434 = tpu.vector_load %arg6[%get3A_432, %get3A_433] {strides = array<i32>} : memref<16x1000xf32, #tpu.memory_space<vmem>>, vector<16xf32>,
        %exp3A_435 = math.exp %get3A_434 : vector<16xf32>
        %add3A_436 = arith.addf %add3A_396, %exp3A_435 : vector<16xf32>
        %get3A_437 = arith.index_cast %scan3A_134 : i32 to index
        %get3A_438 = arith.constant 984 : index
        %get3A_439 = tpu.vector_load %arg6[%get3A_437, %get3A_438] {strides = array<i32>} : memref<16x1000xf32, #tpu.memory_space<vmem>>, vector<16xf32>,
        %exp3A_440 = math.exp %get3A_439 : vector<16xf32>
        %jit3A = arith.constant 0.000000e+00 : f32
        %broadcast_in_dim3A_441 = vector.broadcast %jit3A : f32 to vector<16xf32>
        %select_n3A = arith.select %ge3A_58, %exp3A_440, %broadcast_in_dim3A_441 : vector<16xi1>, vector<16xf32>
        %add3A_442 = arith.addf %add3A_401, %select_n3A : vector<16xf32>
        %add3A_443 = arith.addf %add3A_411, %add3A_416 : vector<16xf32>
        %add3A_444 = arith.addf %add3A_421, %add3A_426 : vector<16xf32>
        %add3A_445 = arith.addf %add3A_443, %add3A_444 : vector<16xf32>
        %add3A_446 = arith.addf %add3A_431, %add3A_436 : vector<16xf32>
        %add3A_447 = arith.addf %add3A_442, %add3A_406 : vector<16xf32>
        %add3A_448 = arith.addf %add3A_446, %add3A_447 : vector<16xf32>
        %add3A_449 = arith.addf %add3A_445, %add3A_448 : vector<16xf32>
        %reduce_sum3A = arith.constant true
        %reduce_sum3A_450 = vector.broadcast %reduce_sum3A : i1 to vector<16xi1>
        %reduce_sum3A_451 = tpu.scan <sum>, %add3A_449 masked %reduce_sum3A_450 : vector<16xf32>, vector<16xi1> -> vector<16xf32>
        %reduce_sum3A_452 = vector.extract %reduce_sum3A_451[15] : f32 from vector<16xf32>
        %eq3A = vector.broadcast %scan3A_134 : i32 to vector<16xi32>
        %eq3A_453 = arith.cmpi eq, %iota3A, %eq3A : vector<16xi32>
        %broadcast_in_dim3A_454 = vector.broadcast %reduce_sum3A_452 : f32 to vector<16xf32>
        %select_n3A_455 = arith.select %eq3A_453, %broadcast_in_dim3A_454, %scan3A_135 : vector<16xi1>, vector<16xf32>
        scf.yield %select_n3A_455 : vector<16xf32>
      }
      %scan3A_65 = arith.constant 16 : i32
      %mul3A_66 = arith.constant 16 : i32
      %mul3A_67 = arith.muli %mul3A_47, %mul3A_66 : i32
      %swap3A = arith.index_cast %mul3A_67 : i32 to index
      %swap3A_68 = tpu.vector_load %arg8[%swap3A] {strides = array<i32>} : memref<256xf32, #tpu.memory_space<vmem>>, vector<16xf32>,
      tpu.vector_store %arg8[%swap3A], %scan3A_64 {strides = array<i32>} : memref<256xf32, #tpu.memory_space<vmem>>, vector<16xf32>,
      %mul3A_69 = arith.constant 16 : i32
      %mul3A_70 = arith.muli %mul3A_47, %mul3A_69 : i32
      %get3A = arith.index_cast %mul3A_70 : i32 to index
      %get3A_71 = tpu.vector_load %arg10[%get3A] {strides = array<i32>} : memref<256xi32, #tpu.memory_space<vmem>>, vector<16xi32>,
      %gather3A = tpu.vector_load_idx %arg6[%iota3A, %get3A_71] : memref<16x1000xf32, #tpu.memory_space<vmem>>[vector<16xi32>, vector<16xi32>], vector<16xf32>,
      %mul3A_72 = arith.constant 16 : i32
      %mul3A_73 = arith.muli %mul3A_47, %mul3A_72 : i32
      %swap3A_74 = arith.index_cast %mul3A_73 : i32 to index
      %swap3A_75 = tpu.vector_load %arg9[%swap3A_74] {strides = array<i32>} : memref<256xf32, #tpu.memory_space<vmem>>, vector<16xf32>,
      tpu.vector_store %arg9[%swap3A_74], %gather3A {strides = array<i32>} : memref<256xf32, #tpu.memory_space<vmem>>, vector<16xf32>,
      %add3A_76 = arith.constant 2 : i32
      %add3A_77 = arith.addi %mul3A_47, %add3A_76 : i32
      %min3A_78 = arith.constant 15 : i32
      %min3A_79 = arith.minsi %add3A_77, %min3A_78 : i32
      %mul3A_80 = arith.constant 16 : i32
      %mul3A_81 = arith.muli %min3A_79, %mul3A_80 : i32
      %add3A_82 = arith.addi %mul3A_2, %mul3A_81 : i32
      %dma_start3A_83 = arith.constant 0 : i32
      %dma_start3A_84 = tpu.memref_slice %arg2[%add3A_82, %dma_start3A_83] : memref<16384x1000xf32, #tpu.memory_space<hbm>> -> memref<16x1000xf32, #tpu.memory_space<hbm>>
      %dma_start3A_85 = arith.constant 0 : i32
      %dma_start3A_86 = tpu.memref_slice %arg2[%add3A_82, %dma_start3A_85] : memref<16384x1000xf32, #tpu.memory_space<hbm>> -> memref<16x1000xf32, #tpu.memory_space<hbm>>
      tpu.enqueue_dma source(%dma_start3A_86 : memref<16x1000xf32, #tpu.memory_space<hbm>>) target(%arg6 : memref<16x1000xf32, #tpu.memory_space<vmem>>) target_semaphore(%arg11 : memref<!tpu.dma_semaphore, #tpu.memory_space<semaphore_mem>>)
      %add3A_87 = arith.constant 1 : i32
      %add3A_88 = arith.addi %mul3A_47, %add3A_87 : i32
      %min3A_89 = arith.constant 15 : i32
      %min3A_90 = arith.minsi %add3A_88, %min3A_89 : i32
      %mul3A_91 = arith.constant 16 : i32
      %mul3A_92 = arith.muli %min3A_90, %mul3A_91 : i32
      %add3A_93 = arith.addi %mul3A_2, %mul3A_92 : i32
      %dma_wait3A_94 = arith.constant 0 : i32
      %dma_wait3A_95 = tpu.memref_slice %arg2[%add3A_93, %dma_wait3A_94] : memref<16384x1000xf32, #tpu.memory_space<hbm>> -> memref<16x1000xf32, #tpu.memory_space<hbm>>
      %dma_wait3A_96 = arith.constant 0 : i32
      %dma_wait3A_97 = tpu.memref_slice %arg2[%add3A_93, %dma_wait3A_96] : memref<16384x1000xf32, #tpu.memory_space<hbm>> -> memref<16x1000xf32, #tpu.memory_space<hbm>>
      tpu.wait_dma2 semaphore(%arg12 : memref<!tpu.dma_semaphore, #tpu.memory_space<semaphore_mem>>) src(%dma_wait3A_97 : memref<16x1000xf32, #tpu.memory_space<hbm>>) dst(%arg7 : memref<16x1000xf32, #tpu.memory_space<vmem>>)
      %iota3A_98 = tpu.iota {dimensions = array<i32: 0>} : vector<16xi32>
      %ge3A_99 = arith.constant 8 : i32
      %ge3A_100 = vector.broadcast %ge3A_99 : i32 to vector<16xi32>
      %ge3A_101 = arith.cmpi sge, %iota3A_98, %ge3A_100 : vector<16xi32>
      %broadcast_in_dim3A_102 = arith.constant 0.000000e+00 : f32
      %broadcast_in_dim3A_103 = vector.broadcast %broadcast_in_dim3A_102 : f32 to vector<16xf32>
      %scan3A_104 = arith.constant 0 : i32
      %scan3A_105 = arith.constant 16 : i32
      %scan3A_106 = arith.addi %scan3A_104, %scan3A_105 : i32
      %scan3A_107 = arith.constant 1 : i32
      %scan3A_108 = scf.for %scan3A_134 = %scan3A_104 to %scan3A_106 step %scan3A_107 iter_args(%scan3A_135 = %broadcast_in_dim3A_103) -> (vector<16xf32>)  : i32 {
        %get3A_136 = arith.index_cast %scan3A_134 : i32 to index
        %get3A_137 = arith.constant 0 : index
        %get3A_138 = tpu.vector_load %arg7[%get3A_136, %get3A_137] {strides = array<i32>} : memref<16x1000xf32, #tpu.memory_space<vmem>>, vector<16xf32>,
        %exp3A = math.exp %get3A_138 : vector<16xf32>
        %get3A_139 = arith.index_cast %scan3A_134 : i32 to index
        %get3A_140 = arith.constant 16 : index
        %get3A_141 = tpu.vector_load %arg7[%get3A_139, %get3A_140] {strides = array<i32>} : memref<16x1000xf32, #tpu.memory_space<vmem>>, vector<16xf32>,
        %exp3A_142 = math.exp %get3A_141 : vector<16xf32>
        %get3A_143 = arith.index_cast %scan3A_134 : i32 to index
        %get3A_144 = arith.constant 32 : index
        %get3A_145 = tpu.vector_load %arg7[%get3A_143, %get3A_144] {strides = array<i32>} : memref<16x1000xf32, #tpu.memory_space<vmem>>, vector<16xf32>,
        %exp3A_146 = math.exp %get3A_145 : vector<16xf32>
        %get3A_147 = arith.index_cast %scan3A_134 : i32 to index
        %get3A_148 = arith.constant 48 : index
        %get3A_149 = tpu.vector_load %arg7[%get3A_147, %get3A_148] {strides = array<i32>} : memref<16x1000xf32, #tpu.memory_space<vmem>>, vector<16xf32>,
        %exp3A_150 = math.exp %get3A_149 : vector<16xf32>
        %get3A_151 = arith.index_cast %scan3A_134 : i32 to index
        %get3A_152 = arith.constant 64 : index
        %get3A_153 = tpu.vector_load %arg7[%get3A_151, %get3A_152] {strides = array<i32>} : memref<16x1000xf32, #tpu.memory_space<vmem>>, vector<16xf32>,
        %exp3A_154 = math.exp %get3A_153 : vector<16xf32>
        %get3A_155 = arith.index_cast %scan3A_134 : i32 to index
        %get3A_156 = arith.constant 80 : index
        %get3A_157 = tpu.vector_load %arg7[%get3A_155, %get3A_156] {strides = array<i32>} : memref<16x1000xf32, #tpu.memory_space<vmem>>, vector<16xf32>,
        %exp3A_158 = math.exp %get3A_157 : vector<16xf32>
        %get3A_159 = arith.index_cast %scan3A_134 : i32 to index
        %get3A_160 = arith.constant 96 : index
        %get3A_161 = tpu.vector_load %arg7[%get3A_159, %get3A_160] {strides = array<i32>} : memref<16x1000xf32, #tpu.memory_space<vmem>>, vector<16xf32>,
        %exp3A_162 = math.exp %get3A_161 : vector<16xf32>
        %get3A_163 = arith.index_cast %scan3A_134 : i32 to index
        %get3A_164 = arith.constant 112 : index
        %get3A_165 = tpu.vector_load %arg7[%get3A_163, %get3A_164] {strides = array<i32>} : memref<16x1000xf32, #tpu.memory_space<vmem>>, vector<16xf32>,
        %exp3A_166 = math.exp %get3A_165 : vector<16xf32>
        %get3A_167 = arith.index_cast %scan3A_134 : i32 to index
        %get3A_168 = arith.constant 128 : index
        %get3A_169 = tpu.vector_load %arg7[%get3A_167, %get3A_168] {strides = array<i32>} : memref<16x1000xf32, #tpu.memory_space<vmem>>, vector<16xf32>,
        %exp3A_170 = math.exp %get3A_169 : vector<16xf32>
        %add3A_171 = arith.addf %exp3A, %exp3A_170 : vector<16xf32>
        %get3A_172 = arith.index_cast %scan3A_134 : i32 to index
        %get3A_173 = arith.constant 144 : index
        %get3A_174 = tpu.vector_load %arg7[%get3A_172, %get3A_173] {strides = array<i32>} : memref<16x1000xf32, #tpu.memory_space<vmem>>, vector<16xf32>,
        %exp3A_175 = math.exp %get3A_174 : vector<16xf32>
        %add3A_176 = arith.addf %exp3A_142, %exp3A_175 : vector<16xf32>
        %get3A_177 = arith.index_cast %scan3A_134 : i32 to index
        %get3A_178 = arith.constant 160 : index
        %get3A_179 = tpu.vector_load %arg7[%get3A_177, %get3A_178] {strides = array<i32>} : memref<16x1000xf32, #tpu.memory_space<vmem>>, vector<16xf32>,
        %exp3A_180 = math.exp %get3A_179 : vector<16xf32>
        %add3A_181 = arith.addf %exp3A_146, %exp3A_180 : vector<16xf32>
        %get3A_182 = arith.index_cast %scan3A_134 : i32 to index
        %get3A_183 = arith.constant 176 : index
        %get3A_184 = tpu.vector_load %arg7[%get3A_182, %get3A_183] {strides = array<i32>} : memref<16x1000xf32, #tpu.memory_space<vmem>>, vector<16xf32>,
        %exp3A_185 = math.exp %get3A_184 : vector<16xf32>
        %add3A_186 = arith.addf %exp3A_150, %exp3A_185 : vector<16xf32>
        %get3A_187 = arith.index_cast %scan3A_134 : i32 to index
        %get3A_188 = arith.constant 192 : index
        %get3A_189 = tpu.vector_load %arg7[%get3A_187, %get3A_188] {strides = array<i32>} : memref<16x1000xf32, #tpu.memory_space<vmem>>, vector<16xf32>,
        %exp3A_190 = math.exp %get3A_189 : vector<16xf32>
        %add3A_191 = arith.addf %exp3A_154, %exp3A_190 : vector<16xf32>
        %get3A_192 = arith.index_cast %scan3A_134 : i32 to index
        %get3A_193 = arith.constant 208 : index
        %get3A_194 = tpu.vector_load %arg7[%get3A_192, %get3A_193] {strides = array<i32>} : memref<16x1000xf32, #tpu.memory_space<vmem>>, vector<16xf32>,
        %exp3A_195 = math.exp %get3A_194 : vector<16xf32>
        %add3A_196 = arith.addf %exp3A_158, %exp3A_195 : vector<16xf32>
        %get3A_197 = arith.index_cast %scan3A_134 : i32 to index
        %get3A_198 = arith.constant 224 : index
        %get3A_199 = tpu.vector_load %arg7[%get3A_197, %get3A_198] {strides = array<i32>} : memref<16x1000xf32, #tpu.memory_space<vmem>>, vector<16xf32>,
        %exp3A_200 = math.exp %get3A_199 : vector<16xf32>
        %add3A_201 = arith.addf %exp3A_162, %exp3A_200 : vector<16xf32>
        %get3A_202 = arith.index_cast %scan3A_134 : i32 to index
        %get3A_203 = arith.constant 240 : index
        %get3A_204 = tpu.vector_load %arg7[%get3A_202, %get3A_203] {strides = array<i32>} : memref<16x1000xf32, #tpu.memory_space<vmem>>, vector<16xf32>,
        %exp3A_205 = math.exp %get3A_204 : vector<16xf32>
        %add3A_206 = arith.addf %exp3A_166, %exp3A_205 : vector<16xf32>
        %get3A_207 = arith.index_cast %scan3A_134 : i32 to index
        %get3A_208 = arith.constant 256 : index
        %get3A_209 = tpu.vector_load %arg7[%get3A_207, %get3A_208] {strides = array<i32>} : memref<16x1000xf32, #tpu.memory_space<vmem>>, vector<16xf32>,
        %exp3A_210 = math.exp %get3A_209 : vector<16xf32>
        %add3A_211 = arith.addf %add3A_171, %exp3A_210 : vector<16xf32>
        %get3A_212 = arith.index_cast %scan3A_134 : i32 to index
        %get3A_213 = arith.constant 272 : index
        %get3A_214 = tpu.vector_load %arg7[%get3A_212, %get3A_213] {strides = array<i32>} : memref<16x1000xf32, #tpu.memory_space<vmem>>, vector<16xf32>,
        %exp3A_215 = math.exp %get3A_214 : vector<16xf32>
        %add3A_216 = arith.addf %add3A_176, %exp3A_215 : vector<16xf32>
        %get3A_217 = arith.index_cast %scan3A_134 : i32 to index
        %get3A_218 = arith.constant 288 : index
        %get3A_219 = tpu.vector_load %arg7[%get3A_217, %get3A_218] {strides = array<i32>} : memref<16x1000xf32, #tpu.memory_space<vmem>>, vector<16xf32>,
        %exp3A_220 = math.exp %get3A_219 : vector<16xf32>
        %add3A_221 = arith.addf %add3A_181, %exp3A_220 : vector<16xf32>
        %get3A_222 = arith.index_cast %scan3A_134 : i32 to index
        %get3A_223 = arith.constant 304 : index
        %get3A_224 = tpu.vector_load %arg7[%get3A_222, %get3A_223] {strides = array<i32>} : memref<16x1000xf32, #tpu.memory_space<vmem>>, vector<16xf32>,
        %exp3A_225 = math.exp %get3A_224 : vector<16xf32>
        %add3A_226 = arith.addf %add3A_186, %exp3A_225 : vector<16xf32>
        %get3A_227 = arith.index_cast %scan3A_134 : i32 to index
        %get3A_228 = arith.constant 320 : index
        %get3A_229 = tpu.vector_load %arg7[%get3A_227, %get3A_228] {strides = array<i32>} : memref<16x1000xf32, #tpu.memory_space<vmem>>, vector<16xf32>,
        %exp3A_230 = math.exp %get3A_229 : vector<16xf32>
        %add3A_231 = arith.addf %add3A_191, %exp3A_230 : vector<16xf32>
        %get3A_232 = arith.index_cast %scan3A_134 : i32 to index
        %get3A_233 = arith.constant 336 : index
        %get3A_234 = tpu.vector_load %arg7[%get3A_232, %get3A_233] {strides = array<i32>} : memref<16x1000xf32, #tpu.memory_space<vmem>>, vector<16xf32>,
        %exp3A_235 = math.exp %get3A_234 : vector<16xf32>
        %add3A_236 = arith.addf %add3A_196, %exp3A_235 : vector<16xf32>
        %get3A_237 = arith.index_cast %scan3A_134 : i32 to index
        %get3A_238 = arith.constant 352 : index
        %get3A_239 = tpu.vector_load %arg7[%get3A_237, %get3A_238] {strides = array<i32>} : memref<16x1000xf32, #tpu.memory_space<vmem>>, vector<16xf32>,
        %exp3A_240 = math.exp %get3A_239 : vector<16xf32>
        %add3A_241 = arith.addf %add3A_201, %exp3A_240 : vector<16xf32>
        %get3A_242 = arith.index_cast %scan3A_134 : i32 to index
        %get3A_243 = arith.constant 368 : index
        %get3A_244 = tpu.vector_load %arg7[%get3A_242, %get3A_243] {strides = array<i32>} : memref<16x1000xf32, #tpu.memory_space<vmem>>, vector<16xf32>,
        %exp3A_245 = math.exp %get3A_244 : vector<16xf32>
        %add3A_246 = arith.addf %add3A_206, %exp3A_245 : vector<16xf32>
        %get3A_247 = arith.index_cast %scan3A_134 : i32 to index
        %get3A_248 = arith.constant 384 : index
        %get3A_249 = tpu.vector_load %arg7[%get3A_247, %get3A_248] {strides = array<i32>} : memref<16x1000xf32, #tpu.memory_space<vmem>>, vector<16xf32>,
        %exp3A_250 = math.exp %get3A_249 : vector<16xf32>
        %add3A_251 = arith.addf %add3A_211, %exp3A_250 : vector<16xf32>
        %get3A_252 = arith.index_cast %scan3A_134 : i32 to index
        %get3A_253 = arith.constant 400 : index
        %get3A_254 = tpu.vector_load %arg7[%get3A_252, %get3A_253] {strides = array<i32>} : memref<16x1000xf32, #tpu.memory_space<vmem>>, vector<16xf32>,
        %exp3A_255 = math.exp %get3A_254 : vector<16xf32>
        %add3A_256 = arith.addf %add3A_216, %exp3A_255 : vector<16xf32>
        %get3A_257 = arith.index_cast %scan3A_134 : i32 to index
        %get3A_258 = arith.constant 416 : index
        %get3A_259 = tpu.vector_load %arg7[%get3A_257, %get3A_258] {strides = array<i32>} : memref<16x1000xf32, #tpu.memory_space<vmem>>, vector<16xf32>,
        %exp3A_260 = math.exp %get3A_259 : vector<16xf32>
        %add3A_261 = arith.addf %add3A_221, %exp3A_260 : vector<16xf32>
        %get3A_262 = arith.index_cast %scan3A_134 : i32 to index
        %get3A_263 = arith.constant 432 : index
        %get3A_264 = tpu.vector_load %arg7[%get3A_262, %get3A_263] {strides = array<i32>} : memref<16x1000xf32, #tpu.memory_space<vmem>>, vector<16xf32>,
        %exp3A_265 = math.exp %get3A_264 : vector<16xf32>
        %add3A_266 = arith.addf %add3A_226, %exp3A_265 : vector<16xf32>
        %get3A_267 = arith.index_cast %scan3A_134 : i32 to index
        %get3A_268 = arith.constant 448 : index
        %get3A_269 = tpu.vector_load %arg7[%get3A_267, %get3A_268] {strides = array<i32>} : memref<16x1000xf32, #tpu.memory_space<vmem>>, vector<16xf32>,
        %exp3A_270 = math.exp %get3A_269 : vector<16xf32>
        %add3A_271 = arith.addf %add3A_231, %exp3A_270 : vector<16xf32>
        %get3A_272 = arith.index_cast %scan3A_134 : i32 to index
        %get3A_273 = arith.constant 464 : index
        %get3A_274 = tpu.vector_load %arg7[%get3A_272, %get3A_273] {strides = array<i32>} : memref<16x1000xf32, #tpu.memory_space<vmem>>, vector<16xf32>,
        %exp3A_275 = math.exp %get3A_274 : vector<16xf32>
        %add3A_276 = arith.addf %add3A_236, %exp3A_275 : vector<16xf32>
        %get3A_277 = arith.index_cast %scan3A_134 : i32 to index
        %get3A_278 = arith.constant 480 : index
        %get3A_279 = tpu.vector_load %arg7[%get3A_277, %get3A_278] {strides = array<i32>} : memref<16x1000xf32, #tpu.memory_space<vmem>>, vector<16xf32>,
        %exp3A_280 = math.exp %get3A_279 : vector<16xf32>
        %add3A_281 = arith.addf %add3A_241, %exp3A_280 : vector<16xf32>
        %get3A_282 = arith.index_cast %scan3A_134 : i32 to index
        %get3A_283 = arith.constant 496 : index
        %get3A_284 = tpu.vector_load %arg7[%get3A_282, %get3A_283] {strides = array<i32>} : memref<16x1000xf32, #tpu.memory_space<vmem>>, vector<16xf32>,
        %exp3A_285 = math.exp %get3A_284 : vector<16xf32>
        %add3A_286 = arith.addf %add3A_246, %exp3A_285 : vector<16xf32>
        %get3A_287 = arith.index_cast %scan3A_134 : i32 to index
        %get3A_288 = arith.constant 512 : index
        %get3A_289 = tpu.vector_load %arg7[%get3A_287, %get3A_288] {strides = array<i32>} : memref<16x1000xf32, #tpu.memory_space<vmem>>, vector<16xf32>,
        %exp3A_290 = math.exp %get3A_289 : vector<16xf32>
        %add3A_291 = arith.addf %add3A_251, %exp3A_290 : vector<16xf32>
        %get3A_292 = arith.index_cast %scan3A_134 : i32 to index
        %get3A_293 = arith.constant 528 : index
        %get3A_294 = tpu.vector_load %arg7[%get3A_292, %get3A_293] {strides = array<i32>} : memref<16x1000xf32, #tpu.memory_space<vmem>>, vector<16xf32>,
        %exp3A_295 = math.exp %get3A_294 : vector<16xf32>
        %add3A_296 = arith.addf %add3A_256, %exp3A_295 : vector<16xf32>
        %get3A_297 = arith.index_cast %scan3A_134 : i32 to index
        %get3A_298 = arith.constant 544 : index
        %get3A_299 = tpu.vector_load %arg7[%get3A_297, %get3A_298] {strides = array<i32>} : memref<16x1000xf32, #tpu.memory_space<vmem>>, vector<16xf32>,
        %exp3A_300 = math.exp %get3A_299 : vector<16xf32>
        %add3A_301 = arith.addf %add3A_261, %exp3A_300 : vector<16xf32>
        %get3A_302 = arith.index_cast %scan3A_134 : i32 to index
        %get3A_303 = arith.constant 560 : index
        %get3A_304 = tpu.vector_load %arg7[%get3A_302, %get3A_303] {strides = array<i32>} : memref<16x1000xf32, #tpu.memory_space<vmem>>, vector<16xf32>,
        %exp3A_305 = math.exp %get3A_304 : vector<16xf32>
        %add3A_306 = arith.addf %add3A_266, %exp3A_305 : vector<16xf32>
        %get3A_307 = arith.index_cast %scan3A_134 : i32 to index
        %get3A_308 = arith.constant 576 : index
        %get3A_309 = tpu.vector_load %arg7[%get3A_307, %get3A_308] {strides = array<i32>} : memref<16x1000xf32, #tpu.memory_space<vmem>>, vector<16xf32>,
        %exp3A_310 = math.exp %get3A_309 : vector<16xf32>
        %add3A_311 = arith.addf %add3A_271, %exp3A_310 : vector<16xf32>
        %get3A_312 = arith.index_cast %scan3A_134 : i32 to index
        %get3A_313 = arith.constant 592 : index
        %get3A_314 = tpu.vector_load %arg7[%get3A_312, %get3A_313] {strides = array<i32>} : memref<16x1000xf32, #tpu.memory_space<vmem>>, vector<16xf32>,
        %exp3A_315 = math.exp %get3A_314 : vector<16xf32>
        %add3A_316 = arith.addf %add3A_276, %exp3A_315 : vector<16xf32>
        %get3A_317 = arith.index_cast %scan3A_134 : i32 to index
        %get3A_318 = arith.constant 608 : index
        %get3A_319 = tpu.vector_load %arg7[%get3A_317, %get3A_318] {strides = array<i32>} : memref<16x1000xf32, #tpu.memory_space<vmem>>, vector<16xf32>,
        %exp3A_320 = math.exp %get3A_319 : vector<16xf32>
        %add3A_321 = arith.addf %add3A_281, %exp3A_320 : vector<16xf32>
        %get3A_322 = arith.index_cast %scan3A_134 : i32 to index
        %get3A_323 = arith.constant 624 : index
        %get3A_324 = tpu.vector_load %arg7[%get3A_322, %get3A_323] {strides = array<i32>} : memref<16x1000xf32, #tpu.memory_space<vmem>>, vector<16xf32>,
        %exp3A_325 = math.exp %get3A_324 : vector<16xf32>
        %add3A_326 = arith.addf %add3A_286, %exp3A_325 : vector<16xf32>
        %get3A_327 = arith.index_cast %scan3A_134 : i32 to index
        %get3A_328 = arith.constant 640 : index
        %get3A_329 = tpu.vector_load %arg7[%get3A_327, %get3A_328] {strides = array<i32>} : memref<16x1000xf32, #tpu.memory_space<vmem>>, vector<16xf32>,
        %exp3A_330 = math.exp %get3A_329 : vector<16xf32>
        %add3A_331 = arith.addf %add3A_291, %exp3A_330 : vector<16xf32>
        %get3A_332 = arith.index_cast %scan3A_134 : i32 to index
        %get3A_333 = arith.constant 656 : index
        %get3A_334 = tpu.vector_load %arg7[%get3A_332, %get3A_333] {strides = array<i32>} : memref<16x1000xf32, #tpu.memory_space<vmem>>, vector<16xf32>,
        %exp3A_335 = math.exp %get3A_334 : vector<16xf32>
        %add3A_336 = arith.addf %add3A_296, %exp3A_335 : vector<16xf32>
        %get3A_337 = arith.index_cast %scan3A_134 : i32 to index
        %get3A_338 = arith.constant 672 : index
        %get3A_339 = tpu.vector_load %arg7[%get3A_337, %get3A_338] {strides = array<i32>} : memref<16x1000xf32, #tpu.memory_space<vmem>>, vector<16xf32>,
        %exp3A_340 = math.exp %get3A_339 : vector<16xf32>
        %add3A_341 = arith.addf %add3A_301, %exp3A_340 : vector<16xf32>
        %get3A_342 = arith.index_cast %scan3A_134 : i32 to index
        %get3A_343 = arith.constant 688 : index
        %get3A_344 = tpu.vector_load %arg7[%get3A_342, %get3A_343] {strides = array<i32>} : memref<16x1000xf32, #tpu.memory_space<vmem>>, vector<16xf32>,
        %exp3A_345 = math.exp %get3A_344 : vector<16xf32>
        %add3A_346 = arith.addf %add3A_306, %exp3A_345 : vector<16xf32>
        %get3A_347 = arith.index_cast %scan3A_134 : i32 to index
        %get3A_348 = arith.constant 704 : index
        %get3A_349 = tpu.vector_load %arg7[%get3A_347, %get3A_348] {strides = array<i32>} : memref<16x1000xf32, #tpu.memory_space<vmem>>, vector<16xf32>,
        %exp3A_350 = math.exp %get3A_349 : vector<16xf32>
        %add3A_351 = arith.addf %add3A_311, %exp3A_350 : vector<16xf32>
        %get3A_352 = arith.index_cast %scan3A_134 : i32 to index
        %get3A_353 = arith.constant 720 : index
        %get3A_354 = tpu.vector_load %arg7[%get3A_352, %get3A_353] {strides = array<i32>} : memref<16x1000xf32, #tpu.memory_space<vmem>>, vector<16xf32>,
        %exp3A_355 = math.exp %get3A_354 : vector<16xf32>
        %add3A_356 = arith.addf %add3A_316, %exp3A_355 : vector<16xf32>
        %get3A_357 = arith.index_cast %scan3A_134 : i32 to index
        %get3A_358 = arith.constant 736 : index
        %get3A_359 = tpu.vector_load %arg7[%get3A_357, %get3A_358] {strides = array<i32>} : memref<16x1000xf32, #tpu.memory_space<vmem>>, vector<16xf32>,
        %exp3A_360 = math.exp %get3A_359 : vector<16xf32>
        %add3A_361 = arith.addf %add3A_321, %exp3A_360 : vector<16xf32>
        %get3A_362 = arith.index_cast %scan3A_134 : i32 to index
        %get3A_363 = arith.constant 752 : index
        %get3A_364 = tpu.vector_load %arg7[%get3A_362, %get3A_363] {strides = array<i32>} : memref<16x1000xf32, #tpu.memory_space<vmem>>, vector<16xf32>,
        %exp3A_365 = math.exp %get3A_364 : vector<16xf32>
        %add3A_366 = arith.addf %add3A_326, %exp3A_365 : vector<16xf32>
        %get3A_367 = arith.index_cast %scan3A_134 : i32 to index
        %get3A_368 = arith.constant 768 : index
        %get3A_369 = tpu.vector_load %arg7[%get3A_367, %get3A_368] {strides = array<i32>} : memref<16x1000xf32, #tpu.memory_space<vmem>>, vector<16xf32>,
        %exp3A_370 = math.exp %get3A_369 : vector<16xf32>
        %add3A_371 = arith.addf %add3A_331, %exp3A_370 : vector<16xf32>
        %get3A_372 = arith.index_cast %scan3A_134 : i32 to index
        %get3A_373 = arith.constant 784 : index
        %get3A_374 = tpu.vector_load %arg7[%get3A_372, %get3A_373] {strides = array<i32>} : memref<16x1000xf32, #tpu.memory_space<vmem>>, vector<16xf32>,
        %exp3A_375 = math.exp %get3A_374 : vector<16xf32>
        %add3A_376 = arith.addf %add3A_336, %exp3A_375 : vector<16xf32>
        %get3A_377 = arith.index_cast %scan3A_134 : i32 to index
        %get3A_378 = arith.constant 800 : index
        %get3A_379 = tpu.vector_load %arg7[%get3A_377, %get3A_378] {strides = array<i32>} : memref<16x1000xf32, #tpu.memory_space<vmem>>, vector<16xf32>,
        %exp3A_380 = math.exp %get3A_379 : vector<16xf32>
        %add3A_381 = arith.addf %add3A_341, %exp3A_380 : vector<16xf32>
        %get3A_382 = arith.index_cast %scan3A_134 : i32 to index
        %get3A_383 = arith.constant 816 : index
        %get3A_384 = tpu.vector_load %arg7[%get3A_382, %get3A_383] {strides = array<i32>} : memref<16x1000xf32, #tpu.memory_space<vmem>>, vector<16xf32>,
        %exp3A_385 = math.exp %get3A_384 : vector<16xf32>
        %add3A_386 = arith.addf %add3A_346, %exp3A_385 : vector<16xf32>
        %get3A_387 = arith.index_cast %scan3A_134 : i32 to index
        %get3A_388 = arith.constant 832 : index
        %get3A_389 = tpu.vector_load %arg7[%get3A_387, %get3A_388] {strides = array<i32>} : memref<16x1000xf32, #tpu.memory_space<vmem>>, vector<16xf32>,
        %exp3A_390 = math.exp %get3A_389 : vector<16xf32>
        %add3A_391 = arith.addf %add3A_351, %exp3A_390 : vector<16xf32>
        %get3A_392 = arith.index_cast %scan3A_134 : i32 to index
        %get3A_393 = arith.constant 848 : index
        %get3A_394 = tpu.vector_load %arg7[%get3A_392, %get3A_393] {strides = array<i32>} : memref<16x1000xf32, #tpu.memory_space<vmem>>, vector<16xf32>,
        %exp3A_395 = math.exp %get3A_394 : vector<16xf32>
        %add3A_396 = arith.addf %add3A_356, %exp3A_395 : vector<16xf32>
        %get3A_397 = arith.index_cast %scan3A_134 : i32 to index
        %get3A_398 = arith.constant 864 : index
        %get3A_399 = tpu.vector_load %arg7[%get3A_397, %get3A_398] {strides = array<i32>} : memref<16x1000xf32, #tpu.memory_space<vmem>>, vector<16xf32>,
        %exp3A_400 = math.exp %get3A_399 : vector<16xf32>
        %add3A_401 = arith.addf %add3A_361, %exp3A_400 : vector<16xf32>
        %get3A_402 = arith.index_cast %scan3A_134 : i32 to index
        %get3A_403 = arith.constant 880 : index
        %get3A_404 = tpu.vector_load %arg7[%get3A_402, %get3A_403] {strides = array<i32>} : memref<16x1000xf32, #tpu.memory_space<vmem>>, vector<16xf32>,
        %exp3A_405 = math.exp %get3A_404 : vector<16xf32>
        %add3A_406 = arith.addf %add3A_366, %exp3A_405 : vector<16xf32>
        %get3A_407 = arith.index_cast %scan3A_134 : i32 to index
        %get3A_408 = arith.constant 896 : index
        %get3A_409 = tpu.vector_load %arg7[%get3A_407, %get3A_408] {strides = array<i32>} : memref<16x1000xf32, #tpu.memory_space<vmem>>, vector<16xf32>,
        %exp3A_410 = math.exp %get3A_409 : vector<16xf32>
        %add3A_411 = arith.addf %add3A_371, %exp3A_410 : vector<16xf32>
        %get3A_412 = arith.index_cast %scan3A_134 : i32 to index
        %get3A_413 = arith.constant 912 : index
        %get3A_414 = tpu.vector_load %arg7[%get3A_412, %get3A_413] {strides = array<i32>} : memref<16x1000xf32, #tpu.memory_space<vmem>>, vector<16xf32>,
        %exp3A_415 = math.exp %get3A_414 : vector<16xf32>
        %add3A_416 = arith.addf %add3A_376, %exp3A_415 : vector<16xf32>
        %get3A_417 = arith.index_cast %scan3A_134 : i32 to index
        %get3A_418 = arith.constant 928 : index
        %get3A_419 = tpu.vector_load %arg7[%get3A_417, %get3A_418] {strides = array<i32>} : memref<16x1000xf32, #tpu.memory_space<vmem>>, vector<16xf32>,
        %exp3A_420 = math.exp %get3A_419 : vector<16xf32>
        %add3A_421 = arith.addf %add3A_381, %exp3A_420 : vector<16xf32>
        %get3A_422 = arith.index_cast %scan3A_134 : i32 to index
        %get3A_423 = arith.constant 944 : index
        %get3A_424 = tpu.vector_load %arg7[%get3A_422, %get3A_423] {strides = array<i32>} : memref<16x1000xf32, #tpu.memory_space<vmem>>, vector<16xf32>,
        %exp3A_425 = math.exp %get3A_424 : vector<16xf32>
        %add3A_426 = arith.addf %add3A_386, %exp3A_425 : vector<16xf32>
        %get3A_427 = arith.index_cast %scan3A_134 : i32 to index
        %get3A_428 = arith.constant 960 : index
        %get3A_429 = tpu.vector_load %arg7[%get3A_427, %get3A_428] {strides = array<i32>} : memref<16x1000xf32, #tpu.memory_space<vmem>>, vector<16xf32>,
        %exp3A_430 = math.exp %get3A_429 : vector<16xf32>
        %add3A_431 = arith.addf %add3A_391, %exp3A_430 : vector<16xf32>
        %get3A_432 = arith.index_cast %scan3A_134 : i32 to index
        %get3A_433 = arith.constant 976 : index
        %get3A_434 = tpu.vector_load %arg7[%get3A_432, %get3A_433] {strides = array<i32>} : memref<16x1000xf32, #tpu.memory_space<vmem>>, vector<16xf32>,
        %exp3A_435 = math.exp %get3A_434 : vector<16xf32>
        %add3A_436 = arith.addf %add3A_396, %exp3A_435 : vector<16xf32>
        %get3A_437 = arith.index_cast %scan3A_134 : i32 to index
        %get3A_438 = arith.constant 984 : index
        %get3A_439 = tpu.vector_load %arg7[%get3A_437, %get3A_438] {strides = array<i32>} : memref<16x1000xf32, #tpu.memory_space<vmem>>, vector<16xf32>,
        %exp3A_440 = math.exp %get3A_439 : vector<16xf32>
        %jit3A = arith.constant 0.000000e+00 : f32
        %broadcast_in_dim3A_441 = vector.broadcast %jit3A : f32 to vector<16xf32>
        %select_n3A = arith.select %ge3A_101, %exp3A_440, %broadcast_in_dim3A_441 : vector<16xi1>, vector<16xf32>
        %add3A_442 = arith.addf %add3A_401, %select_n3A : vector<16xf32>
        %add3A_443 = arith.addf %add3A_411, %add3A_416 : vector<16xf32>
        %add3A_444 = arith.addf %add3A_421, %add3A_426 : vector<16xf32>
        %add3A_445 = arith.addf %add3A_443, %add3A_444 : vector<16xf32>
        %add3A_446 = arith.addf %add3A_431, %add3A_436 : vector<16xf32>
        %add3A_447 = arith.addf %add3A_442, %add3A_406 : vector<16xf32>
        %add3A_448 = arith.addf %add3A_446, %add3A_447 : vector<16xf32>
        %add3A_449 = arith.addf %add3A_445, %add3A_448 : vector<16xf32>
        %reduce_sum3A = arith.constant true
        %reduce_sum3A_450 = vector.broadcast %reduce_sum3A : i1 to vector<16xi1>
        %reduce_sum3A_451 = tpu.scan <sum>, %add3A_449 masked %reduce_sum3A_450 : vector<16xf32>, vector<16xi1> -> vector<16xf32>
        %reduce_sum3A_452 = vector.extract %reduce_sum3A_451[15] : f32 from vector<16xf32>
        %eq3A = vector.broadcast %scan3A_134 : i32 to vector<16xi32>
        %eq3A_453 = arith.cmpi eq, %iota3A_98, %eq3A : vector<16xi32>
        %broadcast_in_dim3A_454 = vector.broadcast %reduce_sum3A_452 : f32 to vector<16xf32>
        %select_n3A_455 = arith.select %eq3A_453, %broadcast_in_dim3A_454, %scan3A_135 : vector<16xi1>, vector<16xf32>
        scf.yield %select_n3A_455 : vector<16xf32>
      }
      %scan3A_109 = arith.constant 16 : i32
      %mul3A_110 = arith.constant 16 : i32
      %mul3A_111 = arith.muli %add3A_88, %mul3A_110 : i32
      %swap3A_112 = arith.index_cast %mul3A_111 : i32 to index
      %swap3A_113 = tpu.vector_load %arg8[%swap3A_112] {strides = array<i32>} : memref<256xf32, #tpu.memory_space<vmem>>, vector<16xf32>,
      tpu.vector_store %arg8[%swap3A_112], %scan3A_108 {strides = array<i32>} : memref<256xf32, #tpu.memory_space<vmem>>, vector<16xf32>,
      %mul3A_114 = arith.constant 16 : i32
      %mul3A_115 = arith.muli %add3A_88, %mul3A_114 : i32
      %get3A_116 = arith.index_cast %mul3A_115 : i32 to index
      %get3A_117 = tpu.vector_load %arg10[%get3A_116] {strides = array<i32>} : memref<256xi32, #tpu.memory_space<vmem>>, vector<16xi32>,
      %gather3A_118 = tpu.vector_load_idx %arg7[%iota3A_98, %get3A_117] : memref<16x1000xf32, #tpu.memory_space<vmem>>[vector<16xi32>, vector<16xi32>], vector<16xf32>,
      %mul3A_119 = arith.constant 16 : i32
      %mul3A_120 = arith.muli %add3A_88, %mul3A_119 : i32
      %swap3A_121 = arith.index_cast %mul3A_120 : i32 to index
      %swap3A_122 = tpu.vector_load %arg9[%swap3A_121] {strides = array<i32>} : memref<256xf32, #tpu.memory_space<vmem>>, vector<16xf32>,
      tpu.vector_store %arg9[%swap3A_121], %gather3A_118 {strides = array<i32>} : memref<256xf32, #tpu.memory_space<vmem>>, vector<16xf32>,
      %add3A_123 = arith.constant 2 : i32
      %add3A_124 = arith.addi %add3A_88, %add3A_123 : i32
      %min3A_125 = arith.constant 15 : i32
      %min3A_126 = arith.minsi %add3A_124, %min3A_125 : i32
      %mul3A_127 = arith.constant 16 : i32
      %mul3A_128 = arith.muli %min3A_126, %mul3A_127 : i32
      %add3A_129 = arith.addi %mul3A_2, %mul3A_128 : i32
      %dma_start3A_130 = arith.constant 0 : i32
      %dma_start3A_131 = tpu.memref_slice %arg2[%add3A_129, %dma_start3A_130] : memref<16384x1000xf32, #tpu.memory_space<hbm>> -> memref<16x1000xf32, #tpu.memory_space<hbm>>
      %dma_start3A_132 = arith.constant 0 : i32
      %dma_start3A_133 = tpu.memref_slice %arg2[%add3A_129, %dma_start3A_132] : memref<16384x1000xf32, #tpu.memory_space<hbm>> -> memref<16x1000xf32, #tpu.memory_space<hbm>>
      tpu.enqueue_dma source(%dma_start3A_133 : memref<16x1000xf32, #tpu.memory_space<hbm>>) target(%arg7 : memref<16x1000xf32, #tpu.memory_space<vmem>>) target_semaphore(%arg12 : memref<!tpu.dma_semaphore, #tpu.memory_space<semaphore_mem>>)
    }
    %scan3A_25 = arith.constant 8 : i32
    %min3A_26 = arith.constant 15 : i32
    %min3A_27 = arith.constant 15 : i32
    %min3A_28 = arith.minsi %min3A_26, %min3A_27 : i32
    %mul3A_29 = arith.constant 16 : i32
    %mul3A_30 = arith.muli %min3A_28, %mul3A_29 : i32
    %add3A_31 = arith.addi %mul3A_2, %mul3A_30 : i32
    %dma_wait3A = arith.constant 0 : i32
    %dma_wait3A_32 = tpu.memref_slice %arg2[%add3A_31, %dma_wait3A] : memref<16384x1000xf32, #tpu.memory_space<hbm>> -> memref<16x1000xf32, #tpu.memory_space<hbm>>
    %dma_wait3A_33 = arith.constant 0 : i32
    %dma_wait3A_34 = tpu.memref_slice %arg2[%add3A_31, %dma_wait3A_33] : memref<16384x1000xf32, #tpu.memory_space<hbm>> -> memref<16x1000xf32, #tpu.memory_space<hbm>>
    tpu.wait_dma2 semaphore(%arg11 : memref<!tpu.dma_semaphore, #tpu.memory_space<semaphore_mem>>) src(%dma_wait3A_34 : memref<16x1000xf32, #tpu.memory_space<hbm>>) dst(%arg6 : memref<16x1000xf32, #tpu.memory_space<vmem>>)
    %min3A_35 = arith.constant 15 : i32
    %min3A_36 = arith.constant 15 : i32
    %min3A_37 = arith.minsi %min3A_35, %min3A_36 : i32
    %mul3A_38 = arith.constant 16 : i32
    %mul3A_39 = arith.muli %min3A_37, %mul3A_38 : i32
    %add3A_40 = arith.addi %mul3A_2, %mul3A_39 : i32
    %dma_wait3A_41 = arith.constant 0 : i32
    %dma_wait3A_42 = tpu.memref_slice %arg2[%add3A_40, %dma_wait3A_41] : memref<16384x1000xf32, #tpu.memory_space<hbm>> -> memref<16x1000xf32, #tpu.memory_space<hbm>>
    %dma_wait3A_43 = arith.constant 0 : i32
    %dma_wait3A_44 = tpu.memref_slice %arg2[%add3A_40, %dma_wait3A_43] : memref<16384x1000xf32, #tpu.memory_space<hbm>> -> memref<16x1000xf32, #tpu.memory_space<hbm>>
    tpu.wait_dma2 semaphore(%arg12 : memref<!tpu.dma_semaphore, #tpu.memory_space<semaphore_mem>>) src(%dma_wait3A_44 : memref<16x1000xf32, #tpu.memory_space<hbm>>) dst(%arg7 : memref<16x1000xf32, #tpu.memory_space<vmem>>)
    "tpu.region"() ({
      %run_scoped3A = tpu.sem_alloc : memref<!tpu.dma_semaphore, #tpu.memory_space<semaphore_mem>>
      %dma_start3A_45 = tpu.memref_slice %arg4[%mul3A_2] : memref<8192xf32, #tpu.memory_space<hbm>> -> memref<256xf32, #tpu.memory_space<hbm>>
      %dma_start3A_46 = tpu.memref_slice %arg4[%mul3A_2] : memref<8192xf32, #tpu.memory_space<hbm>> -> memref<256xf32, #tpu.memory_space<hbm>>
      tpu.enqueue_dma source(%arg8 : memref<256xf32, #tpu.memory_space<vmem>>) target(%dma_start3A_46 : memref<256xf32, #tpu.memory_space<hbm>>) target_semaphore(%run_scoped3A : memref<!tpu.dma_semaphore, #tpu.memory_space<semaphore_mem>>)
      %dma_wait3A_47 = tpu.memref_slice %arg4[%mul3A_2] : memref<8192xf32, #tpu.memory_space<hbm>> -> memref<256xf32, #tpu.memory_space<hbm>>
      %dma_wait3A_48 = tpu.memref_slice %arg4[%mul3A_2] : memref<8192xf32, #tpu.memory_space<hbm>> -> memref<256xf32, #tpu.memory_space<hbm>>
      tpu.wait_dma2 semaphore(%run_scoped3A : memref<!tpu.dma_semaphore, #tpu.memory_space<semaphore_mem>>) src(%arg8 : memref<256xf32, #tpu.memory_space<vmem>>) dst(%dma_wait3A_48 : memref<256xf32, #tpu.memory_space<hbm>>)
      tpu.yield
    }) : () -> ()
    "tpu.region"() ({
      %run_scoped3A = tpu.sem_alloc : memref<!tpu.dma_semaphore, #tpu.memory_space<semaphore_mem>>
      %dma_start3A_45 = tpu.memref_slice %arg5[%mul3A_2] : memref<8192xf32, #tpu.memory_space<hbm>> -> memref<256xf32, #tpu.memory_space<hbm>>
      %dma_start3A_46 = tpu.memref_slice %arg5[%mul3A_2] : memref<8192xf32, #tpu.memory_space<hbm>> -> memref<256xf32, #tpu.memory_space<hbm>>
      tpu.enqueue_dma source(%arg9 : memref<256xf32, #tpu.memory_space<vmem>>) target(%dma_start3A_46 : memref<256xf32, #tpu.memory_space<hbm>>) target_semaphore(%run_scoped3A : memref<!tpu.dma_semaphore, #tpu.memory_space<semaphore_mem>>)
      %dma_wait3A_47 = tpu.memref_slice %arg5[%mul3A_2] : memref<8192xf32, #tpu.memory_space<hbm>> -> memref<256xf32, #tpu.memory_space<hbm>>
      %dma_wait3A_48 = tpu.memref_slice %arg5[%mul3A_2] : memref<8192xf32, #tpu.memory_space<hbm>> -> memref<256xf32, #tpu.memory_space<hbm>>
      tpu.wait_dma2 semaphore(%run_scoped3A : memref<!tpu.dma_semaphore, #tpu.memory_space<semaphore_mem>>) src(%arg9 : memref<256xf32, #tpu.memory_space<vmem>>) dst(%dma_wait3A_48 : memref<256xf32, #tpu.memory_space<hbm>>)
      tpu.yield
    }) : () -> ()
    return
  }
}

module attributes {stable_mosaic.version = 14 : i64} {
  func.func @_tc_ce_body(%arg0: i32, %arg1: memref<1024x1000xf32, #tpu.memory_space<vmem>>, %arg2: memref<1x1x1024xi32, #tpu.memory_space<vmem>>, %arg3: memref<8x128xf32, #tpu.memory_space<vmem>>) attributes {dimension_semantics = [#tpu.dimension_semantics<arbitrary>], iteration_bounds = array<i64: 8>, scalar_prefetch = 0 : i64, scratch_operands = 0 : i64, tpu.core_type = #tpu.core_type<tc>, window_params = [{transform_indices = @transform_0, window_bounds = array<i64: 1024, 1000>}, {transform_indices = @transform_1, window_bounds = array<i64: 1, 1, 1024>}, {transform_indices = @transform_2, window_bounds = array<i64: 8, 128>}]} {
    %get3A = arith.constant 0 : index
    %get3A_0 = arith.constant 0 : index
    %get3A_1 = vector.load %arg1[%get3A, %get3A_0] : memref<1024x1000xf32, #tpu.memory_space<vmem>>, vector<1024x1000xf32>
    %get3A_2 = arith.constant 0 : index
    %get3A_3 = arith.constant 0 : index
    %get3A_4 = arith.constant 0 : index
    %get3A_5 = vector.load %arg2[%get3A_2, %get3A_3, %get3A_4] : memref<1x1x1024xi32, #tpu.memory_space<vmem>>, vector<1x1x1024xi32>
    %get3A_6 = vector.shape_cast %get3A_5 : vector<1x1x1024xi32> to vector<1024xi32>
    %reduce_max3A = arith.constant dense<0xFF800000> : vector<1024xf32>
    %reduce_max3A_7 = vector.multi_reduction <maximumf>, %get3A_1, %reduce_max3A [1] : vector<1024x1000xf32> to vector<1024xf32>
    %broadcast_in_dim3A = vector.shape_cast %reduce_max3A_7 : vector<1024xf32> to vector<1024x1xf32>
    %sub3A = vector.broadcast %broadcast_in_dim3A : vector<1024x1xf32> to vector<1024x1000xf32>
    %sub3A_8 = arith.subf %get3A_1, %sub3A : vector<1024x1000xf32>
    %exp3A = math.exp %sub3A_8 : vector<1024x1000xf32>
    %squeeze3A = vector.shape_cast %broadcast_in_dim3A : vector<1024x1xf32> to vector<1024xf32>
    %reduce_sum3A = arith.constant dense<0.000000e+00> : vector<1024xf32>
    %reduce_sum3A_9 = vector.multi_reduction <add>, %exp3A, %reduce_sum3A [1] : vector<1024x1000xf32> to vector<1024xf32>
    %log3A = math.log %reduce_sum3A_9 : vector<1024xf32>
    %add3A = arith.addf %squeeze3A, %log3A : vector<1024xf32>
    %iota3A = tpu.iota {dimensions = array<i32: 1>} : vector<1024x1000xi32>
    %broadcast_in_dim3A_10 = vector.shape_cast %get3A_6 : vector<1024xi32> to vector<1024x1xi32>
    %eq3A = vector.broadcast %broadcast_in_dim3A_10 : vector<1024x1xi32> to vector<1024x1000xi32>
    %eq3A_11 = arith.cmpi eq, %iota3A, %eq3A : vector<1024x1000xi32>
    %jit3A = arith.constant 0.000000e+00 : f32
    %broadcast_in_dim3A_12 = vector.broadcast %jit3A : f32 to vector<1024x1000xf32>
    %select_n3A = arith.select %eq3A_11, %get3A_1, %broadcast_in_dim3A_12 : vector<1024x1000xi1>, vector<1024x1000xf32>
    %reduce_sum3A_13 = arith.constant dense<0.000000e+00> : vector<1024xf32>
    %reduce_sum3A_14 = vector.multi_reduction <add>, %select_n3A, %reduce_sum3A_13 [1] : vector<1024x1000xf32> to vector<1024xf32>
    %sub3A_15 = arith.subf %add3A, %reduce_sum3A_14 : vector<1024xf32>
    %reshape3A = vector.shape_cast %sub3A_15 : vector<1024xf32> to vector<8x128xf32>
    %swap3A = arith.constant 0 : index
    %swap3A_16 = arith.constant 0 : index
    %swap3A_17 = vector.load %arg3[%swap3A, %swap3A_16] : memref<8x128xf32, #tpu.memory_space<vmem>>, vector<8x128xf32>
    tpu.vector_store %arg3[%swap3A, %swap3A_16], %reshape3A {strides = array<i32>} : memref<8x128xf32, #tpu.memory_space<vmem>>, vector<8x128xf32>,
    return
  }
  func.func @transform_0(%arg0: i32) -> (i32, i32) {
    %add3A = arith.constant 8 : i32
    %add3A_0 = arith.addi %arg0, %add3A : i32
    %c0_i32 = arith.constant 0 : i32
    %c0_i32_1 = arith.constant 0 : i32
    return %add3A_0, %c0_i32 : i32, i32
  }
  func.func @transform_1(%arg0: i32) -> (i32, i32, i32) {
    %add3A = arith.constant 8 : i32
    %add3A_0 = arith.addi %arg0, %add3A : i32
    %c0_i32 = arith.constant 0 : i32
    %c0_i32_1 = arith.constant 0 : i32
    %c0_i32_2 = arith.constant 0 : i32
    return %add3A_0, %c0_i32, %c0_i32_1 : i32, i32, i32
  }
  func.func @transform_2(%arg0: i32) -> (i32, i32) {
    %c0_i32 = arith.constant 0 : i32
    %c0_i32_0 = arith.constant 0 : i32
    return %arg0, %c0_i32 : i32, i32
  }
}

module attributes {stable_mosaic.version = 14 : i64} {
  func.func @_select_body(%arg0: memref<64x128xf32, #tpu.memory_space<vmem>>, %arg1: memref<64x128xf32, #tpu.memory_space<vmem>>, %arg2: memref<64x128xf32, #tpu.memory_space<vmem>>, %arg3: memref<1x1xf32, #tpu.memory_space<vmem>>) attributes {dimension_semantics = [], scalar_prefetch = 0 : i64, scratch_operands = 0 : i64, tpu.core_type = #tpu.core_type<tc>} {
    %get3A = arith.constant 0 : index
    %get3A_0 = arith.constant 0 : index
    %get3A_1 = vector.load %arg0[%get3A, %get3A_0] : memref<64x128xf32, #tpu.memory_space<vmem>>, vector<64x128xf32>
    %get3A_2 = arith.constant 0 : index
    %get3A_3 = arith.constant 0 : index
    %get3A_4 = vector.load %arg1[%get3A_2, %get3A_3] : memref<64x128xf32, #tpu.memory_space<vmem>>, vector<64x128xf32>
    %log3A = math.log %get3A_4 : vector<64x128xf32>
    %get3A_5 = arith.constant 0 : index
    %get3A_6 = arith.constant 0 : index
    %get3A_7 = vector.load %arg2[%get3A_5, %get3A_6] : memref<64x128xf32, #tpu.memory_space<vmem>>, vector<64x128xf32>
    %sub3A = arith.subf %log3A, %get3A_7 : vector<64x128xf32>
    %bitcast_convert_type3A = tpu.bitcast %get3A_1 : vector<64x128xf32> -> vector<64x128xi32>
    %lt3A = arith.constant 0 : i32
    %lt3A_8 = vector.broadcast %lt3A : i32 to vector<64x128xi32>
    %lt3A_9 = arith.cmpi slt, %bitcast_convert_type3A, %lt3A_8 : vector<64x128xi32>
    %not3A = arith.constant dense<-1> : vector<64x128xi32>
    %not3A_10 = arith.xori %bitcast_convert_type3A, %not3A : vector<64x128xi32>
    %xor3A = arith.constant -2147483648 : i32
    %xor3A_11 = vector.broadcast %xor3A : i32 to vector<64x128xi32>
    %xor3A_12 = arith.xori %not3A_10, %xor3A_11 : vector<64x128xi32>
    %select_n3A = arith.select %lt3A_9, %xor3A_12, %bitcast_convert_type3A : vector<64x128xi1>, vector<64x128xi32>
    %bitcast_convert_type3A_13 = tpu.bitcast %sub3A : vector<64x128xf32> -> vector<64x128xi32>
    %lt3A_14 = arith.constant 0 : i32
    %lt3A_15 = vector.broadcast %lt3A_14 : i32 to vector<64x128xi32>
    %lt3A_16 = arith.cmpi slt, %bitcast_convert_type3A_13, %lt3A_15 : vector<64x128xi32>
    %not3A_17 = arith.constant dense<-1> : vector<64x128xi32>
    %not3A_18 = arith.xori %bitcast_convert_type3A_13, %not3A_17 : vector<64x128xi32>
    %xor3A_19 = arith.constant -2147483648 : i32
    %xor3A_20 = vector.broadcast %xor3A_19 : i32 to vector<64x128xi32>
    %xor3A_21 = arith.xori %not3A_18, %xor3A_20 : vector<64x128xi32>
    %select_n3A_22 = arith.select %lt3A_16, %xor3A_21, %bitcast_convert_type3A_13 : vector<64x128xi1>, vector<64x128xi32>
    %scan3A = arith.constant 0 : i32
    %scan3A_23 = arith.constant 0 : i32
    %scan3A_24 = arith.constant 32 : i32
    %scan3A_25 = arith.addi %scan3A_23, %scan3A_24 : i32
    %scan3A_26 = arith.constant 1 : i32
    %scan3A_27 = scf.for %scan3A_75 = %scan3A_23 to %scan3A_25 step %scan3A_26 iter_args(%scan3A_76 = %scan3A) -> (i32)  : i32 {
      %sub3A_77 = arith.constant 31 : i32
      %sub3A_78 = arith.subi %sub3A_77, %scan3A_75 : i32
      %shift_left3A = arith.constant 1 : i32
      %shift_left3A_79 = arith.shli %shift_left3A, %sub3A_78 : i32
      %or3A = arith.ori %scan3A_76, %shift_left3A_79 : i32
      %xor3A_80 = arith.constant -2147483648 : i32
      %xor3A_81 = arith.xori %or3A, %xor3A_80 : i32
      %ge3A = vector.broadcast %xor3A_81 : i32 to vector<64x128xi32>
      %ge3A_82 = arith.cmpi sge, %select_n3A, %ge3A : vector<64x128xi32>
      %convert_element_type3A_83 = arith.extui %ge3A_82 : vector<64x128xi1> to vector<64x128xi32>
      %reduce_sum3A_84 = vector.shape_cast %convert_element_type3A_83 : vector<64x128xi32> to vector<1x64x128xi32>
      %reduce_sum3A_85 = arith.constant dense<0> : vector<1xi32>
      %reduce_sum3A_86 = vector.multi_reduction <add>, %reduce_sum3A_84, %reduce_sum3A_85 [1, 2] : vector<1x64x128xi32> to vector<1xi32>
      %reduce_sum3A_87 = vector.shape_cast %reduce_sum3A_86 : vector<1xi32> to vector<1x1x1xi32>
      %reduce_sum3A_88 = vector.extract %reduce_sum3A_87[0, 0, 0] : i32 from vector<1x1x1xi32>
      %ge3A_89 = vector.broadcast %xor3A_81 : i32 to vector<64x128xi32>
      %ge3A_90 = arith.cmpi sge, %select_n3A_22, %ge3A_89 : vector<64x128xi32>
      %convert_element_type3A_91 = arith.extui %ge3A_90 : vector<64x128xi1> to vector<64x128xi32>
      %reduce_sum3A_92 = vector.shape_cast %convert_element_type3A_91 : vector<64x128xi32> to vector<1x64x128xi32>
      %reduce_sum3A_93 = arith.constant dense<0> : vector<1xi32>
      %reduce_sum3A_94 = vector.multi_reduction <add>, %reduce_sum3A_92, %reduce_sum3A_93 [1, 2] : vector<1x64x128xi32> to vector<1xi32>
      %reduce_sum3A_95 = vector.shape_cast %reduce_sum3A_94 : vector<1xi32> to vector<1x1x1xi32>
      %reduce_sum3A_96 = vector.extract %reduce_sum3A_95[0, 0, 0] : i32 from vector<1x1x1xi32>
      %add3A_97 = arith.addi %reduce_sum3A_88, %reduce_sum3A_96 : i32
      %ge3A_98 = arith.constant 4096 : i32
      %ge3A_99 = arith.cmpi sge, %add3A_97, %ge3A_98 : i32
      %select_n3A_100 = arith.select %ge3A_99, %or3A, %scan3A_76 : i32
      scf.yield %select_n3A_100 : i32
    }
    %scan3A_28 = arith.constant 32 : i32
    %xor3A_29 = arith.constant -2147483648 : i32
    %xor3A_30 = arith.xori %scan3A_27, %xor3A_29 : i32
    %lt3A_31 = arith.constant 0 : i32
    %lt3A_32 = arith.cmpi slt, %scan3A_27, %lt3A_31 : i32
    %xor3A_33 = arith.constant -2147483648 : i32
    %xor3A_34 = arith.xori %scan3A_27, %xor3A_33 : i32
    %not3A_35 = arith.constant -1 : i32
    %not3A_36 = arith.xori %scan3A_27, %not3A_35 : i32
    %select_n3A_37 = arith.select %lt3A_32, %xor3A_34, %not3A_36 : i32
    %bitcast_convert_type3A_38 = arith.bitcast %select_n3A_37 : i32 to f32
    %gt3A = vector.broadcast %xor3A_30 : i32 to vector<64x128xi32>
    %gt3A_39 = arith.cmpi sgt, %select_n3A, %gt3A : vector<64x128xi32>
    %gt3A_40 = vector.broadcast %xor3A_30 : i32 to vector<64x128xi32>
    %gt3A_41 = arith.cmpi sgt, %select_n3A_22, %gt3A_40 : vector<64x128xi32>
    %convert_element_type3A = arith.extui %gt3A_39 : vector<64x128xi1> to vector<64x128xi32>
    %convert_element_type3A_42 = arith.sitofp %convert_element_type3A : vector<64x128xi32> to vector<64x128xf32>
    %reduce_sum3A = vector.shape_cast %convert_element_type3A_42 : vector<64x128xf32> to vector<1x64x128xf32>
    %reduce_sum3A_43 = arith.constant dense<0.000000e+00> : vector<1xf32>
    %reduce_sum3A_44 = vector.multi_reduction <add>, %reduce_sum3A, %reduce_sum3A_43 [1, 2] : vector<1x64x128xf32> to vector<1xf32>
    %reduce_sum3A_45 = vector.shape_cast %reduce_sum3A_44 : vector<1xf32> to vector<1x1x1xf32>
    %reduce_sum3A_46 = vector.extract %reduce_sum3A_45[0, 0, 0] : f32 from vector<1x1x1xf32>
    %convert_element_type3A_47 = arith.extui %gt3A_41 : vector<64x128xi1> to vector<64x128xi32>
    %convert_element_type3A_48 = arith.sitofp %convert_element_type3A_47 : vector<64x128xi32> to vector<64x128xf32>
    %reduce_sum3A_49 = vector.shape_cast %convert_element_type3A_48 : vector<64x128xf32> to vector<1x64x128xf32>
    %reduce_sum3A_50 = arith.constant dense<0.000000e+00> : vector<1xf32>
    %reduce_sum3A_51 = vector.multi_reduction <add>, %reduce_sum3A_49, %reduce_sum3A_50 [1, 2] : vector<1x64x128xf32> to vector<1xf32>
    %reduce_sum3A_52 = vector.shape_cast %reduce_sum3A_51 : vector<1xf32> to vector<1x1x1xf32>
    %reduce_sum3A_53 = vector.extract %reduce_sum3A_52[0, 0, 0] : f32 from vector<1x1x1xf32>
    %add3A = arith.addf %reduce_sum3A_46, %reduce_sum3A_53 : f32
    %jit3A = arith.constant 0.000000e+00 : f32
    %broadcast_in_dim3A = vector.broadcast %jit3A : f32 to vector<64x128xf32>
    %select_n3A_54 = arith.select %gt3A_39, %get3A_1, %broadcast_in_dim3A : vector<64x128xi1>, vector<64x128xf32>
    %reduce_sum3A_55 = vector.shape_cast %select_n3A_54 : vector<64x128xf32> to vector<1x64x128xf32>
    %reduce_sum3A_56 = arith.constant dense<0.000000e+00> : vector<1xf32>
    %reduce_sum3A_57 = vector.multi_reduction <add>, %reduce_sum3A_55, %reduce_sum3A_56 [1, 2] : vector<1x64x128xf32> to vector<1xf32>
    %reduce_sum3A_58 = vector.shape_cast %reduce_sum3A_57 : vector<1xf32> to vector<1x1x1xf32>
    %reduce_sum3A_59 = vector.extract %reduce_sum3A_58[0, 0, 0] : f32 from vector<1x1x1xf32>
    %jit3A_60 = arith.constant 0.000000e+00 : f32
    %broadcast_in_dim3A_61 = vector.broadcast %jit3A_60 : f32 to vector<64x128xf32>
    %select_n3A_62 = arith.select %gt3A_41, %sub3A, %broadcast_in_dim3A_61 : vector<64x128xi1>, vector<64x128xf32>
    %reduce_sum3A_63 = vector.shape_cast %select_n3A_62 : vector<64x128xf32> to vector<1x64x128xf32>
    %reduce_sum3A_64 = arith.constant dense<0.000000e+00> : vector<1xf32>
    %reduce_sum3A_65 = vector.multi_reduction <add>, %reduce_sum3A_63, %reduce_sum3A_64 [1, 2] : vector<1x64x128xf32> to vector<1xf32>
    %reduce_sum3A_66 = vector.shape_cast %reduce_sum3A_65 : vector<1xf32> to vector<1x1x1xf32>
    %reduce_sum3A_67 = vector.extract %reduce_sum3A_66[0, 0, 0] : f32 from vector<1x1x1xf32>
    %add3A_68 = arith.addf %reduce_sum3A_59, %reduce_sum3A_67 : f32
    %sub3A_69 = arith.constant 4.096000e+03 : f32
    %sub3A_70 = arith.subf %sub3A_69, %add3A : f32
    %mul3A = arith.mulf %sub3A_70, %bitcast_convert_type3A_38 : f32
    %add3A_71 = arith.addf %add3A_68, %mul3A : f32
    %div3A = arith.constant 4.096000e+03 : f32
    %div3A_72 = arith.divf %add3A_71, %div3A : f32
    %reshape3A = vector.broadcast %div3A_72 : f32 to vector<1x1xf32>
    %swap3A = arith.constant 0 : index
    %swap3A_73 = arith.constant 0 : index
    %swap3A_74 = vector.load %arg3[%swap3A, %swap3A_73] : memref<1x1xf32, #tpu.memory_space<vmem>>, vector<1x1xf32>
    tpu.vector_store %arg3[%swap3A, %swap3A_73], %reshape3A {strides = array<i32>} : memref<1x1xf32, #tpu.memory_space<vmem>>, vector<1x1xf32>,
    return
  }
}

</mosaic_0001>

<sc_bundles>
// kernel: kernel.5.cloned.1.call-start
scs
__scs_entry_jumppad:
0x0: {  	(pc) =	sbr.rel $0x88, $3  }
0x1: {  	(tag) =	ssettag $0x0;
	lr =	simm.s32 $0x1  }
0x2: {  	[smem:$0x3F9F] =	sst lr;
	_ =	strace $0xD0000000  }
0x3: {  	_ = 	snop  }
0x4: {  	_ = 	snop  }
0x5: {  	_ = 	snop  }
0x6: {  	_ = 	snop  }
0x7: {  	_ = 	snop  }
__scs_overlays_trampoline_lowered:
0x8: {  	[smem:$0x3FAE] =	sst s0  }
0x9: {  	[smem:$0x3FAF] =	sst s1  }
0xa: {  	[smem:$0x3FB0] =	sst s2  }
0xb: {  	[smem:$0x3FB1] =	sst s3  }
0xc: {  	[smem:$0x3FB2] =	sst s4  }
0xd: {  	[smem:$0x3FB3] =	sst s5  }
0xe: {  	[smem:$0x3FB4] =	sst s6  }
0xf: {  	[smem:$0x3FB5] =	sst s7  }
0x10: {  	[smem:$0x3FB6] =	sst s8  }
0x11: {  	[smem:$0x3FB7] =	sst s9;
	s0 =	simm.s32 @!p0 $0x0  }
0x12: {  	s1 =	sld [smem:$0x3F9D];
	s0 =	simm.s32 @p0 $0x1  }
0x13: {  	[smem:$0x3FB8] =	sst s0;
	s0 =	simm.s32 @!p1 $0x0  }
0x14: {  	s2 =	sld [smem:$0x3F9C];
	s0 =	simm.s32 @p1 $0x1  }
0x15: {  	[smem:$0x3FB9] =	sst s0;
	s0 =	simm.s32 @!p2 $0x0  }
0x16: {  	s3 =	sld [smem:$0x3FDB];
	s0 =	simm.s32 @p2 $0x1  }
0x17: {  	s4 =	simm.s32 $0x1BF5;
	[smem:$0x3FBB] =	sst s0  }
0x18: {  	s0 =	sld [smem:$0x3F9E];
	_ =	swait.ge [sflag:s4], $0x0  }
0x19: {  	s7 =	sld [smem:$0x3F9F]  }
0x1a: {  	s8 =	sadd.s32 $0xFFFFE003, lr  }
0x1b: {  	s9 =	sadd.s32 $0xFFFFFEF7, lr;
	s5 =	simm.s32 $0xFFFFFFFF;
	p2 =	slt.u32 s8, $0xFFFFF086  }
0x1c: {  	p1 =	slt.u32 s9, $0xF7A;
	s5 =	simm.s32 @!p2 $0x0  }
0x1d: {  	s5 =	simm.s32 @p1 $0x1;
	p0 =	seq.s32 s7, s2  }
0x1e: {  	s7 =	smul.u32 @!p0 $0xF7A, s2;
	p2 =	seq.s32 @!p0 s5, $0x0  }
0x1f: {  	s9 =	smul.u32 $0xF7A, s1;
	s8 =	simm.s32 @!p0 $0x1BF5;
	p2 =	por !p2, p0  }
0x20: {  	[sflag:s8] =	ssyncset.s32 @!p0 $0xFFFFF086;
	s6 =	sadd.s32 @!p0 s3, s7;
	s7 =	simm.s32 @!p0 $0x108  }
0x21: {  	s3 =	sadd.s32 s3, s9;
	s6 =	sadd.s32 @!p0 $0x88, s6;
	s7 =	simm.s32 @p2 $0x1082  }
0x22: {  	[simem:s7], [sflag:s8] =	dma.local @!p0 [hbm:s6], $0xF7A  }
0x23: {  	s9 =	sor.u32 $0xD0000000, s2;
	s6 =	simm.s32 $0x108;
	_ =	swait.ge @!p0 [sflag:s8], $0x0  }
0x24: {  	s3 =	sadd.s32 $0x88, s3;
	s6 =	simm.s32 @!p1 $0x1082;
	[sflag:s4] =	ssyncset.s32 $0xFFFFF086  }
0x25: {  	[simem:s6], [sflag:s4] =	dma.local [hbm:s3], $0xF7A  }
0x26: {  	[smem:$0x3F9F] =	sst s1;
	(tag) =	ssettag s2;
	_ =	strace s9  }
0x27: {  	s1 =	sld [smem:$0x3FAF]  }
0x28: {  	s2 =	sld [smem:$0x3FB0]  }
0x29: {  	s4 =	sld [smem:$0x3FB2]  }
0x2a: {  	p0 =	seq.s32 s5, $0x0;
	s5 =	sld [smem:$0x3FB3]  }
0x2b: {  	s6 =	sld [smem:$0x3FB4]  }
0x2c: {  	s7 =	sld [smem:$0x3FB5]  }
0x2d: {  	s3 =	simm.s32 $0x108;
	s8 =	sld [smem:$0x3FB6]  }
0x2e: {  	s3 =	simm.s32 @!p0 $0x1082;
	s9 =	sld [smem:$0x3FB7]  }
0x2f: {  	lr =	sadd.s32 s0, s3;
	s0 =	sld [smem:$0x3FAE]  }
0x30: {  	s3 =	sld [smem:$0x3FB1]  }
0x31: {  	[smem:$0x3FBA] =	sst s10  }
0x32: {  	s10 =	sld [smem:$0x3FB8];
	_ =	sdelay $0x3  }
0x33: {  	p0 =	seq.s32 s10, $0x1;
	s10 =	sld [smem:$0x3FBA];
	_ =	sdelay $0x3  }
0x34: {  	[smem:$0x3FBA] =	sst s10  }
0x35: {  	s10 =	sld [smem:$0x3FB9];
	_ =	sdelay $0x3  }
0x36: {  	p1 =	seq.s32 s10, $0x1;
	s10 =	sld [smem:$0x3FBA];
	_ =	sdelay $0x3  }
0x37: {  	[smem:$0x3FBA] =	sst s10  }
0x38: {  	s10 =	sld [smem:$0x3FBB]  }
0x39: {  	_ = 	snop;
	(pc) =	sbr.ind lr, $3  }
0x3a: {  	_ = 	snop  }
0x3b: {  	_ = 	snop  }
0x3c: {  	p2 =	seq.s32 s10, $0x1;
	s10 =	sld [smem:$0x3FBA]  }
0x3d: {  	_ =	shalt  }
0x3e: {  	_ =	shalt  }
0x3f: {  	_ =	shalt  }
0x40: {  	_ =	shalt  }
0x41: {  	_ =	shalt  }
0x42: {  	_ =	shalt  }
0x43: {  	_ =	shalt  }
0x44: {  	_ =	shalt  }
0x45: {  	_ =	shalt  }
0x46: {  	_ =	shalt  }
0x47: {  	_ =	shalt  }
0x48: {  	_ =	shalt  }
0x49: {  	_ =	shalt  }
0x4a: {  	_ =	shalt  }
0x4b: {  	_ =	shalt  }
0x4c: {  	_ =	shalt  }
0x4d: {  	_ =	shalt  }
0x4e: {  	_ =	shalt  }
0x4f: {  	_ =	shalt  }
0x50: {  	_ =	shalt  }
0x51: {  	_ =	shalt  }
0x52: {  	_ =	shalt  }
0x53: {  	_ =	shalt  }
0x54: {  	_ =	shalt  }
0x55: {  	_ =	shalt  }
0x56: {  	_ =	shalt  }
0x57: {  	_ =	shalt  }
0x58: {  	_ =	shalt  }
0x59: {  	_ =	shalt  }
0x5a: {  	_ =	shalt  }
0x5b: {  	_ =	shalt  }
0x5c: {  	_ =	shalt  }
0x5d: {  	_ =	shalt  }
0x5e: {  	_ =	shalt  }
0x5f: {  	_ =	shalt  }
0x60: {  	_ =	shalt  }
0x61: {  	_ =	shalt  }
0x62: {  	_ =	shalt  }
0x63: {  	_ =	shalt  }
0x64: {  	_ =	shalt  }
0x65: {  	_ =	shalt  }
0x66: {  	_ =	shalt  }
0x67: {  	_ =	shalt  }
0x68: {  	_ =	shalt  }
0x69: {  	_ =	shalt  }
0x6a: {  	_ =	shalt  }
0x6b: {  	_ =	shalt  }
0x6c: {  	_ =	shalt  }
0x6d: {  	_ =	shalt  }
0x6e: {  	_ =	shalt  }
0x6f: {  	_ =	shalt  }
0x70: {  	_ =	shalt  }
0x71: {  	_ =	shalt  }
0x72: {  	_ =	shalt  }
0x73: {  	_ =	shalt  }
0x74: {  	_ =	shalt  }
0x75: {  	_ =	shalt  }
0x76: {  	_ =	shalt  }
0x77: {  	_ =	shalt  }
0x78: {  	_ =	shalt  }
0x79: {  	_ =	shalt  }
0x7a: {  	_ =	shalt  }
0x7b: {  	_ =	shalt  }
0x7c: {  	_ =	shalt  }
0x7d: {  	_ =	shalt  }
0x7e: {  	_ =	shalt  }
0x7f: {  	_ =	shalt  }
0x80: {  	_ =	shalt  }
0x81: {  	_ =	shalt  }
0x82: {  	_ =	shalt  }
0x83: {  	_ =	shalt  }
0x84: {  	_ =	shalt  }
0x85: {  	_ =	shalt  }
0x86: {  	_ =	shalt  }
0x87: {  	_ =	shalt  }
.Lfunc_end0:
.L_simem_size_0:
called_computation_lowered:
.L_overlay_start_0:
0x88: {  	s2 =	sld [smem:$0x3FD9]  }
0x89: {  	s3 =	sld [smem:$0x3FFE];
	_ =	sdelay $0x1  }
0x8a: {  	s1 =	srdreg.scid  }
0x8b: {  	s0 =	sand.u32 $0x1, s1  }
0x8c: {  	s17 =	sshll.u32 s0, $0xA;
	s2 =	sadd.s32 s3, s2  }
0x8d: {  	s2 =	sadd.s32 s2, s17  }
0x8e: {  	[smem:$0x3FC6] =	sst s2  }
0x8f: {  	_ = 	snop  }
0x90: {  	s2 =	sld [smem:$0x3FC8];
	(tm) =	ssettm $0x1  }
0x91: {  	s18 =	sld [smem:$0x3FFB];
	_ =	sdelay $0x3  }
0x92: {  	_ =	strace s18  }
0x93: {  	s3 =	sld [smem:$0x3FFC];
	_ =	sdelay $0x3  }
0x94: {  	_ =	strace s3  }
0x95: {  	s3 =	sld [smem:$0x3FFD];
	_ =	sdelay $0x3  }
0x96: {  	_ =	strace s3  }
0x97: {  	_ =	strace $0x8FFFFFFF  }
0x98: {  	s19 =	sld [smem:$0x3FDB];
	_ =	sdelay $0x1  }
0x99: {  	s4 =	simm.s32 $_scs_section_size  }
0x9a: {  	s5 =	simm.s32 $_size__tile_overlayer_lowered;
	s6 =	simm.s32 $_tile_overlayer_lowered  }
0x9b: {  	s22 =	simm.s32 $0x1BFF;
	s21 =	sshll.u32 s6, $0x1;
	s3 =	sadd.s32 s4, s19  }
0x9c: {  	s7 =	simm.s32 $0x0;
	s20 =	sshll.u32 s5, $0x1;
	s5 =	sadd.s32 s21, s3  }
0x9d: {  	[timem:s7], [sflag:s22] =	dma.local [hbm:s5], s20  }
0x9e: {  	_ =	swait.ge [sflag:s22], s20  }
0x9f: {  	s4 =	ssub.s32 $0x0, s20;
	[sflag:s22] =	ssyncset.done $0x0  }
0xa0: {  	[sflag:s22] =	ssyncadd.s32 s4;
	_ =	sdelay $0x1  }
0xa1: {  	s23 =	simm.s32 $0x1B8B  }
0xa2: {  	_ =	swait.ge [sflag:s23], $0x1  }
0xa3: {  	[sflag:s23] =	ssyncset.done $0x0  }
0xa4: {  	s25 =	simm.s32 $0x1B8E;
	s24 =	sld [smem:$0x3FFE];
	[sflag:s23] =	ssyncadd.s32 $0xFFFFFFFF  }
0xa5: {  	s26 =	simm.s32 $execute0_lowered;
	[smem:$0x3FD2] =	sst s25  }
0xa6: {  	s5 =	sshll.u32 s26, $0x1;
	_ =	strace $0x80000046;
	[dreg:$0x1] =	wrdreg $0xFFFFFFFF  }
0xa7: {  	s28 =	simm.s32 $_size_execute0_lowered;
	s3 =	sadd.s32 s3, s5;
	[dreg:$0x0] =	wrdreg $0x0  }
0xa8: {  	s5 =	sshll.u32 s28, $0x1;
	[dreg:$0x2] =	wrdreg s3  }
0xa9: {  	[dreg:$0x3] =	wrdreg s5  }
0xaa: {  	[dreg:$0x4] =	wrdreg $0xC0  }
0xab: {  	_ =	task [dreg:s7], $0x5FFFF  }
0xac: {  	[dreg:$0x1] =	wrdreg $0xFFFFFFFF  }
0xad: {  	[dreg:$0x0] =	wrdreg $0x60  }
0xae: {  	[dreg:$0x2] =	wrdreg s24  }
0xaf: {  	[dreg:$0x3] =	wrdreg s2  }
0xb0: {  	[dreg:$0x4] =	wrdreg $0x9  }
0xb1: {  	_ =	task.clear_ibuf [dreg:s7], $0x5FFFF;
	_ =	strace $0x90000046  }
0xb2: {  	s29 =	simm.s32 $0x9;
	_ =	strace $0x80000048  }
0xb3: {  	_ =	swait.ge [sflag:s29], $0x1  }
0xb4: {  	[sflag:s29] =	ssyncadd.s32 $0xFFFFFFFF  }
0xb5: {  	_ =	strace $0x90000048  }
0xb6: {  	_ =	sfence  }
0xb7: {  	s30 =	sld [smem:$0x0];
	_ =	sdelay $0x2  }
0xb8: {  	s31 =	sshll.u32 s1, $0xD;
	s1 =	sshrl.u32 s1, $0x2  }
0xb9: {  	s3 =	sand.u32 $0x4000, s31;
	s1 =	sadd.s32 s1, s30  }
0xba: {  	s0 =	sor.u32 s3, s0;
	s1 =	sshll.u32 s1, $0x11  }
0xbb: {  	s0 =	sor.u32 s1, s0  }
0xbc: {  	s0 =	sadd.s32 $0x8F2B, s0  }
0xbd: {  	[sflag:s0] =	ssyncadd.remote.s32 $0x1  }
0xbe: {  	_ =	sfence.sel $0xFFFF  }
0xbf: {  	[dreg:$0x0] =	wrdreg $0xFFFFFFFF;
	(pc) =	sbr.abs _section_cstart, $3  }
0xc0: {  	[dreg:$0x1] =	wrdreg $0xFFFFFFFF  }
0xc1: {  	_ =	task.clear_ibuf [dreg:s7], $0x2FFFF;
	_ =	strace $0x9FFFFFFF  }
0xc2: {  	(tm) =	ssettm $0x7FFFFFFF  }
0xc3: {  	_ =	shalt  }
tec
execute0_lowered:
.L_overlay_start_1:
0x0: {  	(tag) =	ssettag $0x1  }
0x1: {  	v0 =	vimm.s32 $0x2380;
	vm0 =	vcmask $0x300  }
0x2: {  	v0 =	vsel vm0, $0x0, v0;
	vm0 =	vcmask $0x704  }
0x3: {  	v0 =	vsel vm0, $0x80, v0;
	vm0 =	vcmask $0xB08  }
0x4: {  	s3 =	rddreg [dreg:$0x0];
	v0 =	vsel vm0, $0x100, v0;
	vm0 =	vcmask $0xF0C  }
0x5: {  	s4 =	rddreg [dreg:$0x1];
	s2 =	srdreg.scid;
	v0 =	vsel vm0, $0x180, v0;
	vm0 =	vcmask $0x1310  }
0x6: {  	s0 =	rddreg [dreg:$0x2];
	s1 =	stileid.u32;
	v0 =	vsel vm0, $0x200, v0;
	vm0 =	vcmask $0x1714  }
0x7: {  	s11 =	simm.s32 $0x8200;
	s12 =	simm.s32 $0x3;
	s13 =	simm.s32 $0x4000;
	v0 =	vsel vm0, $0x280, v0;
	vm0 =	vcmask $0x1B18  }
0x8: {  	s14 =	simm.s32 $0x1;
	s15 =	simm.s32 $0x2;
	s16 =	simm.s32 $0x8000;
	v0 =	vsel vm0, $0x300, v0;
	vm0 =	vcmask $0x1F1C  }
0x9: {  	s17 =	simm.s32 $0x8100;
	s18 =	simm.s32 $0x0;
	s5 =	sand.u32 $0x1, s2;
	v0 =	vsel vm0, $0x380, v0;
	vm0 =	vcmask $0x2320  }
0xa: {  	s2 =	simm.s32 $0x0;
	s6 =	sshll.u32 s1, $0x9;
	s7 =	sshll.u32 s5, $0x8;
	v0 =	vsel vm0, $0x2000, v0;
	vm0 =	vcmask $0x2724  }
0xb: {  	[smem:$0x7FF] =	sst s2;
	s5 =	ssub.s32 $0x2, s5;
	s6 =	sor.u32 s7, s6;
	v0 =	vsel vm0, $0x2080, v0;
	vm0 =	vcmask $0x2B28  }
0xc: {  	_ =	strace $0x80000047;
	s8 =	sshrl.u32 s5, $0x1;
	s7 =	sshll.u32 s6, $0x7;
	v0 =	vsel vm0, $0x2100, v0;
	vm0 =	vcmask $0x2F2C  }
0xd: {  	s6 =	sshrl.u32 s6, $0x3;
	s10 =	ssub.s32 s5, s8;
	s7 =	sadd.s32 s7, s3;
	v0 =	vsel vm0, $0x2180, v0;
	vm0 =	vcmask $0x3330  }
0xe: {  	s9 =	sadd.s32 s6, s3;
	s3 =	sadd.s32 s4, s6;
	s10 =	smax.u32 s10, $0x1;
	v0 =	vsel vm0, $0x2200, v0;
	vm0 =	vcmask $0x3734  }
0xf: {  	vm1 =	vcmask $0x3B38;
	s4 =	sadd.s32 $0x1600, s7;
	s5 =	sadd.s32 $0x1E00, s7;
	s6 =	sadd.s32 $0x2600, s7;
	v1 =	vsel vm0, $0x2280, v0  }
0x10: {  	s7 =	sadd.s32 $0xE00, s7;
	s8 =	sadd.s32 $0x200E00, s9;
	s9 =	sadd.s32 $0x201200, s9;
	vm0 =	vmmov $0xff;
	v0 =	vlaneseq.u32;
	v1 =	vsel vm1, $0x2300, v1  }
.LBB2_1:
0x11: {  	[tilespmem:s11], [sflag:$0x3] =	stream.linear.gather [hbm4b:s3+s2], $0x100, $0x38;
	[tilespmem:$0x8300] =	vst v63  }
0x12: {  	_ =	swait.ge [sflag:s12], $0x100  }
0x13: {  	[sflag:s12] =	ssyncset.done $0x0  }
0x14: {  	[sflag:s12] =	ssyncadd.s32 $0xFFFFFF00  }
0x15: {  	[tilespmem:s2], [sflag:$0x1] =	stream.linear.gather [hbm4b:s7+s2], $0x4000, $0x38;
	[tilespmem:$0x8300] =	vst v63  }
0x16: {  	s19 =	simm.s32 $0x0  }
0x17: {  	[tilespmem:s13], [sflag:$0x2] =	stream.linear.gather [hbm4b:s4+s2], $0x4000, $0x38;
	[tilespmem:$0x8300] =	vst v63  }
.LBB2_2:
0x18: {  	_ =	swait.ge [sflag:s14], $0x4000;
	s20 =	simm.s32 $0x0  }
0x19: {  	[sflag:s14] =	ssyncset.done $0x0;
	s21 =	sand.u32 $0x2000, s20;
	s22 =	sand.u32 $0x380, s20  }
0x1a: {  	[sflag:s14] =	ssyncadd.s32 $0xFFFFC000;
	s21 =	sor.u32 s22, s21  }
0x1b: {  	v2 =	vld [tilespmem:s21+$0x1870]  }
0x1c: {  	v3 =	vld [tilespmem:s21+$0x1470]  }
0x1d: {  	v4 =	vld [tilespmem:s21+$0x1800]  }
0x1e: {  	v5 =	vld [tilespmem:s21+$0x1810]  }
0x1f: {  	v6 =	vld [tilespmem:s21+$0x1820]  }
0x20: {  	v7 =	vld [tilespmem:s21+$0x1830]  }
0x21: {  	v8 =	vld [tilespmem:s21+$0x1840]  }
0x22: {  	v9 =	vld [tilespmem:s21+$0x1850]  }
0x23: {  	v10 =	vld [tilespmem:s21+$0x1860]  }
0x24: {  	v11 =	vld [tilespmem:s21+$0x1070]  }
0x25: {  	v12 =	vld [tilespmem:s21+$0x1400]  }
0x26: {  	v13 =	vld [tilespmem:s21+$0x1410]  }
0x27: {  	v14 =	vld [tilespmem:s21+$0x1420]  }
0x28: {  	v15 =	vld [tilespmem:s21+$0x1430];
	v2 =	vmul.f32 $1.442695020e+00, v2  }
0x29: {  	v16 =	vld [tilespmem:s21+$0x1440];
	v3 =	vmul.f32 $1.442695020e+00, v3;
	v4 =	vmul.f32 $1.442695020e+00, v4  }
0x2a: {  	v22 =	vld [tilespmem:s21+$0x1000];
	v5 =	vmul.f32 $1.442695020e+00, v5;
	v17 =	vmul.f32 $1.442695020e+00, v6  }
0x2b: {  	v24 =	vld [tilespmem:s21+$0x1010];
	v7 =	vmul.f32 $1.442695020e+00, v7;
	v20 =	vmul.f32 $1.442695020e+00, v8  }
0x2c: {  	v33 =	vld [tilespmem:s21+$0x830];
	v9 =	vmul.f32 $1.442695020e+00, v9;
	v10 =	vmul.f32 $1.442695020e+00, v10  }
0x2d: {  	v19 =	vld [tilespmem:s21+$0xC70];
	v21 =	vmul.f32 $1.442695020e+00, v11;
	v23 =	vmul.f32 $1.442695020e+00, v12  }
0x2e: {  	v6 =	vld [tilespmem:s21+$0x1450];
	v13 =	vmul.f32 $1.442695020e+00, v13;
	v25 =	vmul.f32 $1.442695020e+00, v14  }
0x2f: {  	v18 =	vld [tilespmem:s21+$0x1460];
	v12 =	vmul.f32 $1.442695020e+00, v15;
	v11 =	vmul.f32 $1.442695020e+00, v16  }
0x30: {  	v14 =	vld [tilespmem:s21+$0x1020];
	v22 =	vmul.f32 $1.442695020e+00, v22;
	v24 =	vmul.f32 $1.442695020e+00, v24  }
0x31: {  	v15 =	vld [tilespmem:s21+$0x1030];
	v40 =	vmul.f32 $1.442695020e+00, v33;
	(erf) = vpow2.f32 v2  }
0x32: {  	v16 =	vld [tilespmem:s21+$0x1040];
	v2 =	vmul.f32 $1.442695020e+00, v19;
	(erf) = vpow2.f32 v3  }
0x33: {  	v26 =	vld [tilespmem:s21+$0x1050];
	(erf) = vpow2.f32 v4;
	v8 =	vmul.f32 $1.442695020e+00, v6  }
0x34: {  	v3 =	vld [tilespmem:s21+$0x1060];
	v6 =	vmul.f32 $1.442695020e+00, v18;
	(erf) = vpow2.f32 v5  }
0x35: {  	v4 =	vld [tilespmem:s21+$0x870];
	v31 =	vmul.f32 $1.442695020e+00, v14;
	(erf) = vpow2.f32 v17  }
0x36: {  	v19 =	vmul.f32 $1.442695020e+00, v15;
	v14 =	vld [tilespmem:s21+$0xC10];
	(erf) = vpow2.f32 v7  }
0x37: {  	v5 =	vld [tilespmem:s21+$0xC00];
	v18 =	vmul.f32 $1.442695020e+00, v16;
	(erf) = vpow2.f32 v20  }
0x38: {  	v15 =	vld [tilespmem:s21+$0xC30];
	v17 =	vmul.f32 $1.442695020e+00, v26;
	(erf) = vpow2.f32 v9  }
0x39: {  	v7 =	vld [tilespmem:s21+$0xC20];
	v16 =	vmul.f32 $1.442695020e+00, v3;
	(erf) = vpow2.f32 v10  }
0x3a: {  	v20 =	vmul.f32 $1.442695020e+00, v4;
	v9 =	vld [tilespmem:s21+$0xC40];
	v3 =	vpop (erf);
	(erf) = vpow2.f32 v21  }
0x3b: {  	v10 =	vld [tilespmem:s21+$0xC50];
	v21 =	vmul.f32 $1.442695020e+00, v14;
	v14 =	vpop (erf);
	(erf) = vpow2.f32 v23  }
0x3c: {  	v34 =	vld [tilespmem:s21+$0x840];
	v26 =	vmul.f32 $1.442695020e+00, v5;
	v4 =	vpop (erf);
	(erf) = vpow2.f32 v13  }
0x3d: {  	v27 =	vmul.f32 $1.442695020e+00, v15;
	v15 =	vld [tilespmem:s21+$0x470];
	(erf) = vpow2.f32 v25;
	v5 =	vpop (erf)  }
0x3e: {  	v32 =	vmul.f32 $1.442695020e+00, v7;
	v23 =	vld [tilespmem:s21+$0x70];
	(erf) = vpow2.f32 v2;
	v7 =	vpop (erf)  }
0x3f: {  	v35 =	vld [tilespmem:s21+$0x850];
	v28 =	vmul.f32 $1.442695020e+00, v9;
	(erf) = vpow2.f32 v22;
	v9 =	vpop (erf)  }
0x40: {  	v25 =	vld [tilespmem:s21+$0x800];
	v29 =	vmul.f32 $1.442695020e+00, v10;
	(erf) = vpow2.f32 v24;
	v10 =	vpop (erf)  }
0x41: {  	v57 =	vmul.f32 $1.442695020e+00, v34;
	v22 =	vld [tilespmem:s21+$0x820];
	(erf) = vpow2.f32 v31;
	v13 =	vpop (erf)  }
0x42: {  	v2 =	vld [tilespmem:s21+$0x810];
	v31 =	vmul.f32 $1.442695020e+00, v15;
	(erf) = vpow2.f32 v20;
	v15 =	vpop (erf)  }
0x43: {  	v52 =	vld [tilespmem:s21+$0x20];
	v24 =	vmul.f32 $1.442695020e+00, v23;
	(erf) = vpow2.f32 v26;
	v23 =	vpop (erf)  }
0x44: {  	v36 =	vmul.f32 $1.442695020e+00, v35;
	v26 =	vld [tilespmem:s21+$0x0];
	(erf) = vpow2.f32 v21;
	v20 =	vpop (erf)  }
0x45: {  	v37 =	vld [tilespmem:s21+$0x10];
	v25 =	vmul.f32 $1.442695020e+00, v25;
	(erf) = vpow2.f32 v32;
	v21 =	vpop (erf)  }
0x46: {  	v53 =	vld [tilespmem:s21+$0x30];
	v38 =	vmul.f32 $1.442695020e+00, v22;
	(erf) = vpow2.f32 v24;
	v22 =	vpop (erf)  }
0x47: {  	v56 =	vld [tilespmem:s21+$0x60];
	v2 =	vmul.f32 $1.442695020e+00, v2;
	(erf) = vpow2.f32 v31;
	v31 =	vpop (erf)  }
0x48: {  	v54 =	vld [tilespmem:s21+$0x40];
	v58 =	vmul.f32 $1.442695020e+00, v52;
	(erf) = vpow2.f32 v25;
	v24 =	vpop (erf)  }
0x49: {  	v39 =	vld [tilespmem:s21+$0x50];
	v55 =	vmul.f32 $1.442695020e+00, v26;
	(erf) = vpow2.f32 v2;
	v25 =	vpop (erf)  }
0x4a: {  	v45 =	vld [tilespmem:s21+$0x410];
	v2 =	vmul.f32 $1.442695020e+00, v37;
	(erf) = vpow2.f32 v38;
	v26 =	vpop (erf)  }
0x4b: {  	v41 =	vld [tilespmem:s21+$0x400];
	v42 =	vmul.f32 $1.442695020e+00, v53;
	(erf) = vpow2.f32 v55;
	v35 =	vpop (erf)  }
0x4c: {  	v46 =	vld [tilespmem:s21+$0x420];
	v37 =	vmul.f32 $1.442695020e+00, v56;
	(erf) = vpow2.f32 v2;
	v32 =	vpop (erf)  }
0x4d: {  	v30 =	vld [tilespmem:s21+$0xC60];
	v2 =	vmul.f32 $1.442695020e+00, v54;
	(erf) = vpow2.f32 v58;
	v33 =	vpop (erf)  }
0x4e: {  	v60 =	vld [tilespmem:s21+$0x430];
	v59 =	vmul.f32 $1.442695020e+00, v39;
	(erf) = vpow2.f32 v42;
	v34 =	vpop (erf)  }
0x4f: {  	s23 =	sand.u32 $0x7, s20;
	v47 =	vld [tilespmem:s21+$0x440];
	v61 =	vmul.f32 $1.442695020e+00, v45;
	(erf) = vpow2.f32 v2;
	v43 =	vpop (erf)  }
0x50: {  	s22 =	sshll.u32 s23, $0x7;
	v48 =	vld [tilespmem:s21+$0x450];
	v2 =	vmul.f32 $1.442695020e+00, v41;
	(erf) = vpow2.f32 v59;
	v44 =	vpop (erf)  }
0x51: {  	s22 =	sadd.s32 $0x0, s22;
	v49 =	vld [tilespmem:s21+$0x460];
	v46 =	vmul.f32 $1.442695020e+00, v46;
	(erf) = vpow2.f32 v37;
	v37 =	vpop (erf)  }
0x52: {  	v50 =	vld [tilespmem:s21+$0x860];
	s25 =	sor.u32 $0x1C10, s22;
	v30 =	vmul.f32 $1.442695020e+00, v30;
	(erf) = vpow2.f32 v2;
	v41 =	vpop (erf)  }
0x53: {  	s24 =	sor.u32 $0x1C00, s22;
	v51 =	vld [tilespmem:s25+$0x0];
	v2 =	vmul.f32 $1.442695020e+00, v60;
	(erf) = vpow2.f32 v61;
	v42 =	vpop (erf)  }
0x54: {  	s26 =	sor.u32 $0x1C20, s22;
	v62 =	vld [tilespmem:s24+$0x0];
	v63 =	vmul.f32 $1.442695020e+00, v47;
	v45 =	vpop (erf);
	(erf) = vpow2.f32 v46  }
0x55: {  	s28 =	sor.u32 $0x1C30, s22;
	v54 =	vmul.f32 $1.442695020e+00, v48;
	v58 =	vld [tilespmem:s26+$0x0];
	v46 =	vpop (erf);
	(erf) = vpow2.f32 v2  }
0x56: {  	s29 =	sor.u32 $0x1C40, s22;
	v53 =	vld [tilespmem:s28+$0x0];
	v2 =	vmul.f32 $1.442695020e+00, v49;
	v47 =	vpop (erf);
	(erf) = vpow2.f32 v63  }
0x57: {  	s30 =	sor.u32 $0x1C50, s22;
	v52 =	vmul.f32 $1.442695020e+00, v50;
	v48 =	vpop (erf);
	(erf) = vpow2.f32 v54;
	v54 =	vld [tilespmem:s29+$0x0]  }
0x58: {  	s31 =	sor.u32 $0x1C58, s22;
	v39 =	vmul.f32 $1.442695020e+00, v51;
	v55 =	vld [tilespmem:s30+$0x0];
	v49 =	vpop (erf);
	(erf) = vpow2.f32 v2  }
0x59: {  	s23 =	simm.s32 $0x0;
	v56 =	vld [tilespmem:s31+$0x0];
	v38 =	vmul.f32 $1.442695020e+00, v62;
	v50 =	vpop (erf);
	(erf) = vpow2.f32 v40  }
0x5a: {  	s22 =	simm.s32 $0x1;
	s24 =	simm.s32 $0x0;
	s21 =	simm.s32 $0x0;
	v2 =	vimm.f32 $0.0e+00;
	v40 =	vmul.f32 $1.442695020e+00, v58;
	v51 =	vpop (erf);
	(erf) = vpow2.f32 v57  }
.LBB2_3:
0x5b: {  	p0 =	sne.s32 s22, $0xF;
	v53 =	vmul.f32 $1.442695020e+00, v53;
	v57 =	vpop (erf);
	(erf) = vpow2.f32 v36  }
0x5c: {  	v36 =	vmul.f32 $1.442695020e+00, v54;
	v54 =	vpop (erf);
	(erf) = vpow2.f32 v52  }
0x5d: {  	v52 =	vmul.f32 $1.442695020e+00, v55;
	v55 =	vpop (erf);
	(erf) = vpow2.f32 v27  }
0x5e: {  	v27 =	vadd.f32 v44, v43;
	v43 =	vmul.f32 $1.442695020e+00, v56;
	v44 =	vpop (erf);
	(erf) = vpow2.f32 v28  }
0x5f: {  	v28 =	vadd.f32 v57, v45;
	v45 =	vadd.f32 v54, v46;
	v46 =	vpop (erf);
	(erf) = vpow2.f32 v29  }
0x60: {  	v29 =	vadd.f32 v55, v47;
	v44 =	vadd.f32 v44, v48;
	v47 =	vpop (erf);
	(erf) = vpow2.f32 v30  }
0x61: {  	v30 =	vadd.f32 v46, v49;
	v46 =	vadd.f32 v47, v50;
	v47 =	vpop (erf);
	(erf) = vpow2.f32 v19  }
0x62: {  	v27 =	vadd.f32 v35, v27;
	v19 =	vadd.f32 v47, v51;
	v35 =	vpop (erf);
	(erf) = vpow2.f32 v18  }
0x63: {  	v18 =	vadd.f32 v37, v28;
	v28 =	vadd.f32 v41, v45;
	v37 =	vpop (erf);
	(erf) = vpow2.f32 v17  }
0x64: {  	v17 =	vadd.f32 v42, v29;
	v29 =	vadd.f32 v35, v44;
	v35 =	vpop (erf);
	(erf) = vpow2.f32 v16  }
0x65: {  	v16 =	vadd.f32 v37, v30;
	v30 =	vadd.f32 v35, v46;
	v35 =	vpop (erf);
	(erf) = vpow2.f32 v12  }
0x66: {  	s20 =	sadd.s32 $0x80, s20;
	s23 =	sadd.s32 $0x400, s23;
	v12 =	vadd.f32 v35, v19;
	v19 =	vadd.f32 v31, v27;
	v27 =	vpop (erf);
	(erf) = vpow2.f32 v11  }
0x67: {  	s25 =	sand.u32 $0x2000, s23;
	s26 =	sand.u32 $0x380, s20;
	v11 =	vadd.f32 v32, v18;
	v18 =	vadd.f32 v33, v28;
	v28 =	vpop (erf);
	(erf) = vpow2.f32 v8  }
0x68: {  	s25 =	sor.u32 s26, s25;
	v8 =	vadd.f32 v34, v17;
	v17 =	vadd.f32 v27, v29;
	v27 =	vpop (erf);
	(erf) = vpow2.f32 v6  }
0x69: {  	v16 =	vadd.f32 v28, v16;
	v6 =	vld [tilespmem:s25+$0x1870];
	v27 =	vadd.f32 v27, v30;
	v28 =	vpop (erf);
	(erf) = vpow2.f32 v38  }
0x6a: {  	v19 =	vadd.f32 v23, v19;
	v29 =	vld [tilespmem:s25+$0x1470];
	v12 =	vadd.f32 v28, v12;
	v23 =	vpop (erf);
	(erf) = vpow2.f32 v39  }
0x6b: {  	v11 =	vadd.f32 v24, v11;
	v18 =	vadd.f32 v25, v18;
	v28 =	vld [tilespmem:s25+$0x1800];
	v24 =	vpop (erf);
	(erf) = vpow2.f32 v40  }
0x6c: {  	v8 =	vadd.f32 v26, v8;
	v17 =	vadd.f32 v23, v17;
	v25 =	vld [tilespmem:s25+$0x1810];
	v23 =	vpop (erf);
	(erf) = vpow2.f32 v53  }
0x6d: {  	v16 =	vadd.f32 v24, v16;
	v26 =	vld [tilespmem:s25+$0x1820];
	v23 =	vadd.f32 v23, v27;
	v24 =	vpop (erf);
	(erf) = vpow2.f32 v36  }
0x6e: {  	v14 =	vadd.f32 v14, v19;
	v27 =	vld [tilespmem:s25+$0x1830];
	v12 =	vadd.f32 v24, v12;
	v19 =	vpop (erf);
	(erf) = vpow2.f32 v43  }
0x6f: {  	v11 =	vadd.f32 v20, v11;
	v18 =	vadd.f32 v21, v18;
	v24 =	vld [tilespmem:s25+$0x1840];
	v20 =	vpop (erf);
	(erf) = vpow2.f32 v52  }
0x70: {  	v30 =	vmul.f32 $1.442695020e+00, v6;
	v6 =	vadd.f32 v22, v8;
	v8 =	vadd.f32 v19, v17;
	v21 =	vld [tilespmem:s25+$0x1850];
	v17 =	vpop (erf)  }
0x71: {  	v19 =	vmul.f32 $1.442695020e+00, v29;
	v16 =	vadd.f32 v20, v16;
	v22 =	vld [tilespmem:s25+$0x1860];
	v17 =	vadd.f32 v17, v23;
	v20 =	vpop (erf)  }
0x72: {  	v3 =	vadd.f32 v3, v14;
	v28 =	vmul.f32 $1.442695020e+00, v28;
	v23 =	vld [tilespmem:s25+$0x1070];
	v12 =	vadd.f32 v20, v12;
	v14 =	vpop (erf)  }
0x73: {  	v4 =	vadd.f32 v4, v11;
	v5 =	vadd.f32 v5, v18;
	v25 =	vmul.f32 $1.442695020e+00, v25;
	v20 =	vld [tilespmem:s25+$0x1400];
	v11 =	vpop (erf)  }
0x74: {  	v6 =	vadd.f32 v7, v6;
	v7 =	vadd.f32 v9, v8;
	v26 =	vmul.f32 $1.442695020e+00, v26;
	v18 =	vld [tilespmem:s25+$0x1410];
	v8 =	vpop (erf)  }
0x75: {  	v10 =	vadd.f32 v10, v16;
	v27 =	vmul.f32 $1.442695020e+00, v27;
	v13 =	vadd.f32 v13, v17;
	v9 =	vld [tilespmem:s25+$0x1420];
	v16 =	vpop (erf)  }
0x76: {  	v4 =	vadd.f32 v14, v4;
	v24 =	vmul.f32 $1.442695020e+00, v24;
	v12 =	vadd.f32 v15, v12;
	v17 =	vld [tilespmem:s25+$0x1430];
	v14 =	vpop (erf)  }
0x77: {  	v5 =	vadd.f32 v11, v5;
	v21 =	vmul.f32 $1.442695020e+00, v21;
	v6 =	vadd.f32 v8, v6;
	v15 =	vld [tilespmem:s25+$0x1440];
	v8 =	vpop (erf)  }
0x78: {  	v7 =	vadd.f32 v16, v7;
	v10 =	vadd.f32 v14, v10;
	v29 =	vld [tilespmem:s25+$0x1450];
	v8 =	vsel vm0, $0x0, v8;
	v11 =	vpop (erf)  }
0x79: {  	v22 =	vmul.f32 $1.442695020e+00, v22;
	v14 =	vld [tilespmem:s25+$0x1460];
	v11 =	vadd.f32 v11, v13;
	v8 =	vadd.f32 v8, v12  }
0x7a: {  	v4 =	vadd.f32 v5, v4;
	v23 =	vmul.f32 $1.442695020e+00, v23;
	v5 =	vadd.f32 v7, v6;
	v13 =	vld [tilespmem:s25+$0xC70]  }
0x7b: {  	v20 =	vmul.f32 $1.442695020e+00, v20;
	v7 =	vld [tilespmem:s25+$0x1000];
	v6 =	vadd.f32 v11, v10;
	v3 =	vadd.f32 v8, v3  }
0x7c: {  	v31 =	vmul.f32 $1.442695020e+00, v18;
	v9 =	vmul.f32 $1.442695020e+00, v9;
	v10 =	vld [tilespmem:s25+$0x1010]  }
0x7d: {  	v4 =	vadd.f32 v5, v4;
	v12 =	vmul.f32 $1.442695020e+00, v17;
	v16 =	vld [tilespmem:s25+$0x1020];
	v3 =	vadd.f32 v3, v6  }
0x7e: {  	v11 =	vmul.f32 $1.442695020e+00, v15;
	v8 =	vmul.f32 $1.442695020e+00, v29;
	v5 =	vld [tilespmem:s25+$0x1030]  }
0x7f: {  	v6 =	vmul.f32 $1.442695020e+00, v14;
	v15 =	vld [tilespmem:s25+$0x1040];
	(erf) = vpow2.f32 v30;
	v3 =	vadd.f32 v3, v4  }
0x80: {  	v13 =	vmul.f32 $1.442695020e+00, v13;
	v4 =	vld [tilespmem:s25+$0x1050];
	(erf) = vpow2.f32 v19  }
0x81: {  	v30 =	vmul.f32 $1.442695020e+00, v7;
	v7 =	vld [tilespmem:s25+$0x1060];
	(erf) = vpow2.f32 v28;
	(xrf2) =	vadd.scan.msk.f32 $0xffff, v3  }
0x82: {  	v10 =	vmul.f32 $1.442695020e+00, v10;
	v3 =	vld [tilespmem:s25+$0x870];
	v32 =	vmul.f32 $1.442695020e+00, v16  }
0x83: {  	v14 =	vld [tilespmem:s25+$0xC00];
	v19 =	vmul.f32 $1.442695020e+00, v5;
	(erf) = vpow2.f32 v25  }
0x84: {  	v5 =	vld [tilespmem:s25+$0xC10];
	v18 =	vmul.f32 $1.442695020e+00, v15;
	(erf) = vpow2.f32 v26  }
0x85: {  	v15 =	vld [tilespmem:s25+$0xC20];
	v17 =	vmul.f32 $1.442695020e+00, v4;
	(erf) = vpow2.f32 v27  }
0x86: {  	v25 =	vld [tilespmem:s25+$0xC30];
	v16 =	vmul.f32 $1.442695020e+00, v7;
	(erf) = vpow2.f32 v24  }
0x87: {  	v24 =	vmul.f32 $1.442695020e+00, v3;
	(erf) = vpow2.f32 v21  }
0x88: {  	v21 =	vmul.f32 $1.442695020e+00, v14;
	v7 =	vld [tilespmem:s25+$0xC40];
	(erf) = vpow2.f32 v22;
	v3 =	vpop (erf)  }
0x89: {  	v22 =	vmul.f32 $1.442695020e+00, v5;
	v26 =	vld [tilespmem:s25+$0xC50];
	(erf) = vpow2.f32 v23;
	v14 =	vpop (erf)  }
0x8a: {  	v33 =	vmul.f32 $1.442695020e+00, v15;
	v15 =	vld [tilespmem:s25+$0xC60];
	(erf) = vpow2.f32 v20;
	v4 =	vpop (erf)  }
0x8b: {  	v20 =	vld [tilespmem:s25+$0x70];
	v27 =	vmul.f32 $1.442695020e+00, v25;
	(erf) = vpow2.f32 v31;
	v23, _, _ =	vpop (xrf2)  }
0x8c: {  	v35 =	vmov s21;
	s21 =	smov.u32 s22;
	v25 =	vld [tilespmem:s25+$0x470];
	(erf) = vpow2.f32 v9;
	v5 =	vpop (erf);
	v23 =	vbroadcast v23, $0xF  }
0x8d: {  	vm1 =	veq.s32 v35, v0;
	v31 =	vld [tilespmem:s25+$0x800];
	v28 =	vmul.f32 $1.442695020e+00, v7;
	(erf) = vpow2.f32 v13;
	v7 =	vpop (erf)  }
0x8e: {  	v34 =	vld [tilespmem:s25+$0x810];
	v29 =	vmul.f32 $1.442695020e+00, v26;
	(erf) = vpow2.f32 v30;
	v9 =	vpop (erf);
	v2 =	vsel vm1, v23, v2  }
0x8f: {  	v26 =	vld [tilespmem:s25+$0x820];
	v30 =	vmul.f32 $1.442695020e+00, v15;
	(erf) = vpow2.f32 v10;
	v10 =	vpop (erf)  }
0x90: {  	v35 =	vmul.f32 $1.442695020e+00, v20;
	v36 =	vld [tilespmem:s25+$0x830];
	(erf) = vpow2.f32 v32;
	v13 =	vpop (erf)  }
0x91: {  	v25 =	vmul.f32 $1.442695020e+00, v25;
	v32 =	vld [tilespmem:s25+$0x840];
	(erf) = vpow2.f32 v24;
	v15 =	vpop (erf)  }
0x92: {  	v24 =	vmul.f32 $1.442695020e+00, v31;
	v37 =	vld [tilespmem:s25+$0x850];
	(erf) = vpow2.f32 v21;
	v23 =	vpop (erf)  }
0x93: {  	v38 =	vld [tilespmem:s25+$0x0];
	v34 =	vmul.f32 $1.442695020e+00, v34;
	(erf) = vpow2.f32 v22;
	v20 =	vpop (erf)  }
0x94: {  	v39 =	vld [tilespmem:s25+$0x10];
	v26 =	vmul.f32 $1.442695020e+00, v26;
	(erf) = vpow2.f32 v33;
	v21 =	vpop (erf)  }
0x95: {  	v33 =	vld [tilespmem:s25+$0x20];
	v40 =	vmul.f32 $1.442695020e+00, v36;
	(erf) = vpow2.f32 v35;
	v22 =	vpop (erf)  }
0x96: {  	v41 =	vld [tilespmem:s25+$0x30];
	v57 =	vmul.f32 $1.442695020e+00, v32;
	(erf) = vpow2.f32 v25;
	v31 =	vpop (erf)  }
0x97: {  	v42 =	vld [tilespmem:s25+$0x40];
	v36 =	vmul.f32 $1.442695020e+00, v37;
	(erf) = vpow2.f32 v24;
	v24 =	vpop (erf)  }
0x98: {  	v43 =	vmul.f32 $1.442695020e+00, v38;
	v37 =	vld [tilespmem:s25+$0x50];
	(erf) = vpow2.f32 v34;
	v25 =	vpop (erf)  }
0x99: {  	v34 =	vmul.f32 $1.442695020e+00, v39;
	v38 =	vld [tilespmem:s25+$0x60];
	(erf) = vpow2.f32 v26;
	v26 =	vpop (erf)  }
0x9a: {  	v44 =	vmul.f32 $1.442695020e+00, v33;
	v39 =	vld [tilespmem:s25+$0x400];
	(erf) = vpow2.f32 v43;
	v35 =	vpop (erf)  }
0x9b: {  	v41 =	vmul.f32 $1.442695020e+00, v41;
	v45 =	vld [tilespmem:s25+$0x410];
	(erf) = vpow2.f32 v34;
	v32 =	vpop (erf)  }
0x9c: {  	v42 =	vmul.f32 $1.442695020e+00, v42;
	v46 =	vld [tilespmem:s25+$0x420];
	(erf) = vpow2.f32 v44;
	v33 =	vpop (erf)  }
0x9d: {  	s24 =	sadd.s32 $0x1, s24;
	v51 =	vmul.f32 $1.442695020e+00, v37;
	v47 =	vld [tilespmem:s25+$0x430];
	(erf) = vpow2.f32 v41;
	v34 =	vpop (erf)  }
0x9e: {  	s26 =	sand.u32 $0x7, s24;
	v38 =	vmul.f32 $1.442695020e+00, v38;
	v48 =	vld [tilespmem:s25+$0x440];
	(erf) = vpow2.f32 v42;
	v43 =	vpop (erf)  }
0x9f: {  	s26 =	sshll.u32 s26, $0x7;
	v39 =	vmul.f32 $1.442695020e+00, v39;
	v49 =	vld [tilespmem:s25+$0x450];
	(erf) = vpow2.f32 v51;
	v44 =	vpop (erf)  }
0xa0: {  	s26 =	sadd.s32 s26, s23;
	v52 =	vmul.f32 $1.442695020e+00, v45;
	v50 =	vld [tilespmem:s25+$0x460];
	(erf) = vpow2.f32 v38;
	v37 =	vpop (erf)  }
0xa1: {  	v38 =	vmul.f32 $1.442695020e+00, v46;
	v51 =	vld [tilespmem:s25+$0x860];
	s25 =	sor.u32 $0x1C00, s26;
	(erf) = vpow2.f32 v39;
	v41 =	vpop (erf)  }
0xa2: {  	v39 =	vmul.f32 $1.442695020e+00, v47;
	v55 =	vld [tilespmem:s25+$0x0];
	s25 =	sor.u32 $0x1C10, s26;
	(erf) = vpow2.f32 v52;
	v42 =	vpop (erf)  }
0xa3: {  	v59 =	vmul.f32 $1.442695020e+00, v48;
	v56 =	vld [tilespmem:s25+$0x0];
	s25 =	sor.u32 $0x1C20, s26;
	v45 =	vpop (erf);
	(erf) = vpow2.f32 v38  }
0xa4: {  	v38 =	vmul.f32 $1.442695020e+00, v49;
	v58 =	vld [tilespmem:s25+$0x0];
	s25 =	sor.u32 $0x1C30, s26;
	v46 =	vpop (erf);
	(erf) = vpow2.f32 v39  }
.Ltmp0:
0xa5: {  	v39 =	vmul.f32 $1.442695020e+00, v50;
	v53 =	vld [tilespmem:s25+$0x0];
	s25 =	sor.u32 $0x1C40, s26;
	v47 =	vpop (erf);
	(erf) = vpow2.f32 v59;
	(pc) =	sbr.rel @p0 .LBB2_3-.Ltmp0, $4  }
0xa6: {  	v52 =	vmul.f32 $1.442695020e+00, v51;
	v54 =	vld [tilespmem:s25+$0x0];
	s25 =	sor.u32 $0x1C50, s26;
	v48 =	vpop (erf);
	(erf) = vpow2.f32 v38  }
0xa7: {  	v38 =	vmul.f32 $1.442695020e+00, v55;
	v55 =	vld [tilespmem:s25+$0x0];
	s25 =	sor.u32 $0x1C58, s26;
	v49 =	vpop (erf);
	(erf) = vpow2.f32 v39  }
0xa8: {  	v39 =	vmul.f32 $1.442695020e+00, v56;
	v56 =	vld [tilespmem:s25+$0x0];
	v50 =	vpop (erf);
	(erf) = vpow2.f32 v40  }
0xa9: {  	s22 =	sadd.s32 $0x1, s22;
	v40 =	vmul.f32 $1.442695020e+00, v58;
	v51 =	vpop (erf);
	(erf) = vpow2.f32 v57  }
0xaa: {  	v53 =	vmul.f32 $1.442695020e+00, v53;
	v57 =	vpop (erf);
	(erf) = vpow2.f32 v36  }
0xab: {  	v36 =	vmul.f32 $1.442695020e+00, v54;
	v62 =	vpop (erf);
	(erf) = vpow2.f32 v52  }
0xac: {  	v52 =	vmul.f32 $1.442695020e+00, v55;
	v63 =	vpop (erf);
	(erf) = vpow2.f32 v27  }
0xad: {  	v27 =	vadd.f32 v44, v43;
	v43 =	vmul.f32 $1.442695020e+00, v56;
	v56 =	vpop (erf);
	(erf) = vpow2.f32 v28  }
0xae: {  	v58 =	vadd.f32 v62, v46;
	v28 =	vadd.f32 v57, v45;
	v59 =	vpop (erf);
	(erf) = vpow2.f32 v29  }
0xaf: {  	v29 =	vadd.f32 v63, v47;
	v44 =	vadd.f32 v56, v48;
	v60 =	vpop (erf);
	(erf) = vpow2.f32 v30  }
0xb0: {  	v27 =	vadd.f32 v35, v27;
	v30 =	vadd.f32 v59, v49;
	v62 =	vpop (erf);
	(erf) = vpow2.f32 v19  }
0xb1: {  	v61 =	vadd.f32 v60, v50;
	v19 =	vadd.f32 v62, v51;
	v63 =	vpop (erf);
	(erf) = vpow2.f32 v18  }
0xb2: {  	v18 =	vadd.f32 v37, v28;
	v28 =	vadd.f32 v41, v58;
	v45 =	vpop (erf);
	(erf) = vpow2.f32 v17  }
0xb3: {  	v17 =	vadd.f32 v42, v29;
	v29 =	vadd.f32 v63, v44;
	v47 =	vpop (erf);
	(erf) = vpow2.f32 v16  }
0xb4: {  	v16 =	vadd.f32 v45, v30;
	v30 =	vadd.f32 v47, v61;
	v48 =	vpop (erf);
	(erf) = vpow2.f32 v12  }
0xb5: {  	v12 =	vadd.f32 v48, v19;
	v19 =	vadd.f32 v31, v27;
	v27 =	vpop (erf);
	(erf) = vpow2.f32 v11  }
0xb6: {  	v11 =	vadd.f32 v32, v18;
	v18 =	vadd.f32 v33, v28;
	v28 =	vpop (erf);
	(erf) = vpow2.f32 v8  }
0xb7: {  	v8 =	vadd.f32 v34, v17;
	v17 =	vadd.f32 v27, v29;
	v27 =	vpop (erf);
	(erf) = vpow2.f32 v6  }
0xb8: {  	v6 =	vadd.f32 v28, v16;
	v16 =	vadd.f32 v27, v30;
	v27 =	vpop (erf);
	(erf) = vpow2.f32 v38  }
0xb9: {  	v19 =	vadd.f32 v23, v19;
	v11 =	vadd.f32 v24, v11;
	v23 =	vpop (erf);
	(erf) = vpow2.f32 v39  }
0xba: {  	v18 =	vadd.f32 v25, v18;
	v8 =	vadd.f32 v26, v8;
	v24 =	vpop (erf);
	(erf) = vpow2.f32 v40  }
0xbb: {  	v12 =	vadd.f32 v27, v12;
	v17 =	vadd.f32 v23, v17;
	v23 =	vpop (erf);
	(erf) = vpow2.f32 v53  }
0xbc: {  	v14 =	vadd.f32 v14, v19;
	v16 =	vadd.f32 v23, v16;
	v23 =	vpop (erf);
	(erf) = vpow2.f32 v36  }
0xbd: {  	v11 =	vadd.f32 v20, v11;
	v18 =	vadd.f32 v21, v18;
	v19 =	vpop (erf);
	(erf) = vpow2.f32 v43  }
0xbe: {  	v8 =	vadd.f32 v22, v8;
	v6 =	vadd.f32 v24, v6;
	v20 =	vpop (erf);
	(erf) = vpow2.f32 v52  }
0xbf: {  	v3 =	vadd.f32 v3, v14;
	v17 =	vadd.f32 v19, v17;
	v19 =	vpop (erf)  }
0xc0: {  	v4 =	vadd.f32 v4, v11;
	v16 =	vadd.f32 v19, v16;
	v19 =	vpop (erf)  }
0xc1: {  	v5 =	vadd.f32 v5, v18;
	v12 =	vadd.f32 v23, v12;
	v14 =	vpop (erf)  }
0xc2: {  	v7 =	vadd.f32 v7, v8;
	v6 =	vadd.f32 v20, v6;
	v11 =	vpop (erf)  }
0xc3: {  	v8 =	vadd.f32 v9, v17;
	v12 =	vadd.f32 v19, v12;
	v9 =	vpop (erf)  }
0xc4: {  	v6 =	vadd.f32 v10, v6;
	v10 =	vadd.f32 v13, v16;
	v13 =	vpop (erf)  }
0xc5: {  	v4 =	vadd.f32 v14, v4;
	v12 =	vadd.f32 v15, v12;
	v14 =	vpop (erf)  }
0xc6: {  	v5 =	vadd.f32 v11, v5;
	v7 =	vadd.f32 v9, v7;
	v9 =	vpop (erf)  }
0xc7: {  	v8 =	vadd.f32 v13, v8;
	v6 =	vadd.f32 v14, v6;
	v9 =	vsel vm0, $0x0, v9;
	v11 =	vpop (erf)  }
0xc8: {  	v10 =	vadd.f32 v11, v10;
	v9 =	vadd.f32 v9, v12  }
0xc9: {  	v4 =	vadd.f32 v5, v4;
	v5 =	vadd.f32 v8, v7  }
0xca: {  	v6 =	vadd.f32 v10, v6;
	v3 =	vadd.f32 v9, v3;
	_ =	sdelay $0x1  }
0xcb: {  	v4 =	vadd.f32 v5, v4;
	v3 =	vadd.f32 v3, v6;
	_ =	sdelay $0x1  }
0xcc: {  	v3 =	vadd.f32 v3, v4;
	_ =	sdelay $0x1  }
0xcd: {  	s20 =	sshll.u32 s19, $0x5;
	(xrf2) =	vadd.scan.msk.f32 $0xffff, v3  }
0xce: {  	v3 =	vld [tilespmem:s20+$0x8200];
	_ =	sdelay $0x4  }
0xcf: {  	v4 =	vshll.u32 v3, $0x3  }
0xd0: {  	v4 =	vand.u32 $0xFFFFFC00, v4  }
0xd1: {  	v3 =	vand.u32 $0x7F, v3  }
0xd2: {  	v3 =	vor.u32 v3, v4  }
0xd3: {  	v3 =	vadd.s32 v1, v3;
	v4, _, _ =	vpop (xrf2)  }
0xd4: {  	v5 =	vmov s21;
	v4 =	vbroadcast v4, $0xF  }
0xd5: {  	vm1 =	veq.s32 v5, v0  }
0xd6: {  	v2 =	vsel vm1, v4, v2  }
0xd7: {  	s22 =	simm.s32 $0x0;
	[tilespmem:s20+$0x8000] =	vst v2  }
0xd8: {  	v2 =	vld.idx.msk [tilespmem:v3+s22+$0x0], $0xffff;
	_ =	sdelay $0x1  }
0xd9: {  	s21 =	sshll.u32 s19, $0x1  }
0xda: {  	s23 =	smin.u32 s21, $0xD  }
0xdb: {  	s23 =	sshll.u32 s23, $0xB  }
0xdc: {  	s23 =	sadd.s32 s23, s5;
	[tilespmem:s20+$0x8100] =	vst v2  }
0xdd: {  	[tilespmem:s22], [sflag:$0x1] =	stream.linear.gather [hbm4b:s23+s22], $0x4000, $0x38;
	[tilespmem:$0x8300] =	vst v63  }
0xde: {  	_ =	swait.ge [sflag:s15], $0x4000  }
0xdf: {  	s29 =	sand.u32 $0x2000, s22;
	s24 =	sand.u32 $0x380, s22;
	[sflag:s15] =	ssyncset.done $0x0  }
0xe0: {  	s23 =	sor.u32 s24, s29;
	[sflag:s15] =	ssyncadd.s32 $0xFFFFC000  }
0xe1: {  	v2 =	vld [tilespmem:s23+$0x5870]  }
0xe2: {  	v3 =	vld [tilespmem:s23+$0x5470]  }
0xe3: {  	v4 =	vld [tilespmem:s23+$0x5800]  }
0xe4: {  	v5 =	vld [tilespmem:s23+$0x5810]  }
0xe5: {  	v6 =	vld [tilespmem:s23+$0x5820]  }
0xe6: {  	v7 =	vld [tilespmem:s23+$0x5830]  }
0xe7: {  	v8 =	vld [tilespmem:s23+$0x5840]  }
0xe8: {  	v9 =	vld [tilespmem:s23+$0x5850]  }
0xe9: {  	v10 =	vld [tilespmem:s23+$0x5860]  }
0xea: {  	v11 =	vld [tilespmem:s23+$0x5070]  }
0xeb: {  	v12 =	vld [tilespmem:s23+$0x5400]  }
0xec: {  	v13 =	vld [tilespmem:s23+$0x5410]  }
0xed: {  	v14 =	vld [tilespmem:s23+$0x5420]  }
0xee: {  	v15 =	vld [tilespmem:s23+$0x5430];
	v2 =	vmul.f32 $1.442695020e+00, v2  }
0xef: {  	v16 =	vld [tilespmem:s23+$0x5440];
	v3 =	vmul.f32 $1.442695020e+00, v3;
	v4 =	vmul.f32 $1.442695020e+00, v4  }
0xf0: {  	v22 =	vld [tilespmem:s23+$0x5000];
	v5 =	vmul.f32 $1.442695020e+00, v5;
	v17 =	vmul.f32 $1.442695020e+00, v6  }
0xf1: {  	v24 =	vld [tilespmem:s23+$0x5010];
	v7 =	vmul.f32 $1.442695020e+00, v7;
	v20 =	vmul.f32 $1.442695020e+00, v8  }
0xf2: {  	v50 =	vld [tilespmem:s23+$0x4830];
	v9 =	vmul.f32 $1.442695020e+00, v9;
	v10 =	vmul.f32 $1.442695020e+00, v10  }
0xf3: {  	v19 =	vld [tilespmem:s23+$0x4C70];
	v21 =	vmul.f32 $1.442695020e+00, v11;
	v23 =	vmul.f32 $1.442695020e+00, v12  }
0xf4: {  	v6 =	vld [tilespmem:s23+$0x5450];
	v13 =	vmul.f32 $1.442695020e+00, v13;
	v25 =	vmul.f32 $1.442695020e+00, v14  }
0xf5: {  	v18 =	vld [tilespmem:s23+$0x5460];
	v12 =	vmul.f32 $1.442695020e+00, v15;
	v11 =	vmul.f32 $1.442695020e+00, v16  }
0xf6: {  	v14 =	vld [tilespmem:s23+$0x5020];
	v22 =	vmul.f32 $1.442695020e+00, v22;
	v24 =	vmul.f32 $1.442695020e+00, v24  }
0xf7: {  	v15 =	vld [tilespmem:s23+$0x5030];
	v40 =	vmul.f32 $1.442695020e+00, v50;
	(erf) = vpow2.f32 v2  }
0xf8: {  	v16 =	vld [tilespmem:s23+$0x5040];
	v2 =	vmul.f32 $1.442695020e+00, v19;
	(erf) = vpow2.f32 v3  }
0xf9: {  	v26 =	vld [tilespmem:s23+$0x5050];
	(erf) = vpow2.f32 v4;
	v8 =	vmul.f32 $1.442695020e+00, v6  }
0xfa: {  	v3 =	vld [tilespmem:s23+$0x5060];
	v6 =	vmul.f32 $1.442695020e+00, v18;
	(erf) = vpow2.f32 v5  }
0xfb: {  	v4 =	vld [tilespmem:s23+$0x4870];
	v31 =	vmul.f32 $1.442695020e+00, v14;
	(erf) = vpow2.f32 v17  }
0xfc: {  	v19 =	vmul.f32 $1.442695020e+00, v15;
	v14 =	vld [tilespmem:s23+$0x4C10];
	(erf) = vpow2.f32 v7  }
0xfd: {  	v5 =	vld [tilespmem:s23+$0x4C00];
	v18 =	vmul.f32 $1.442695020e+00, v16;
	(erf) = vpow2.f32 v20  }
0xfe: {  	v15 =	vld [tilespmem:s23+$0x4C30];
	v17 =	vmul.f32 $1.442695020e+00, v26;
	(erf) = vpow2.f32 v9  }
0xff: {  	v7 =	vld [tilespmem:s23+$0x4C20];
	v16 =	vmul.f32 $1.442695020e+00, v3;
	(erf) = vpow2.f32 v10  }
0x100: {  	v20 =	vmul.f32 $1.442695020e+00, v4;
	v9 =	vld [tilespmem:s23+$0x4C40];
	v3 =	vpop (erf);
	(erf) = vpow2.f32 v21  }
0x101: {  	v10 =	vld [tilespmem:s23+$0x4C50];
	v21 =	vmul.f32 $1.442695020e+00, v14;
	v14 =	vpop (erf);
	(erf) = vpow2.f32 v23  }
0x102: {  	v51 =	vld [tilespmem:s23+$0x4840];
	v26 =	vmul.f32 $1.442695020e+00, v5;
	v4 =	vpop (erf);
	(erf) = vpow2.f32 v13  }
0x103: {  	v27 =	vmul.f32 $1.442695020e+00, v15;
	v15 =	vld [tilespmem:s23+$0x4470];
	(erf) = vpow2.f32 v25;
	v5 =	vpop (erf)  }
0x104: {  	v49 =	vmul.f32 $1.442695020e+00, v7;
	v23 =	vld [tilespmem:s23+$0x4070];
	(erf) = vpow2.f32 v2;
	v7 =	vpop (erf)  }
0x105: {  	v52 =	vld [tilespmem:s23+$0x4850];
	v28 =	vmul.f32 $1.442695020e+00, v9;
	(erf) = vpow2.f32 v22;
	v9 =	vpop (erf)  }
0x106: {  	v25 =	vld [tilespmem:s23+$0x4800];
	v29 =	vmul.f32 $1.442695020e+00, v10;
	(erf) = vpow2.f32 v24;
	v10 =	vpop (erf)  }
0x107: {  	v57 =	vmul.f32 $1.442695020e+00, v51;
	v22 =	vld [tilespmem:s23+$0x4820];
	(erf) = vpow2.f32 v31;
	v13 =	vpop (erf)  }
0x108: {  	v2 =	vld [tilespmem:s23+$0x4810];
	v31 =	vmul.f32 $1.442695020e+00, v15;
	(erf) = vpow2.f32 v20;
	v15 =	vpop (erf)  }
0x109: {  	v60 =	vld [tilespmem:s23+$0x4030];
	v24 =	vmul.f32 $1.442695020e+00, v23;
	(erf) = vpow2.f32 v26;
	v23 =	vpop (erf)  }
0x10a: {  	v36 =	vmul.f32 $1.442695020e+00, v52;
	v26 =	vld [tilespmem:s23+$0x4000];
	(erf) = vpow2.f32 v21;
	v20 =	vpop (erf)  }
0x10b: {  	v53 =	vld [tilespmem:s23+$0x4010];
	v25 =	vmul.f32 $1.442695020e+00, v25;
	(erf) = vpow2.f32 v49;
	v21 =	vpop (erf)  }
0x10c: {  	v55 =	vld [tilespmem:s23+$0x4020];
	v54 =	vmul.f32 $1.442695020e+00, v22;
	(erf) = vpow2.f32 v24;
	v22 =	vpop (erf)  }
0x10d: {  	v48 =	vld [tilespmem:s23+$0x4060];
	v2 =	vmul.f32 $1.442695020e+00, v2;
	(erf) = vpow2.f32 v31;
	v31 =	vpop (erf)  }
0x10e: {  	v61 =	vld [tilespmem:s23+$0x4040];
	v51 =	vmul.f32 $1.442695020e+00, v60;
	(erf) = vpow2.f32 v25;
	v24 =	vpop (erf)  }
0x10f: {  	v63 =	vld [tilespmem:s23+$0x4050];
	v62 =	vmul.f32 $1.442695020e+00, v26;
	(erf) = vpow2.f32 v2;
	v25 =	vpop (erf)  }
0x110: {  	v52 =	vld [tilespmem:s23+$0x4410];
	v2 =	vmul.f32 $1.442695020e+00, v53;
	(erf) = vpow2.f32 v54;
	v26 =	vpop (erf)  }
0x111: {  	v50 =	vld [tilespmem:s23+$0x4400];
	v49 =	vmul.f32 $1.442695020e+00, v55;
	(erf) = vpow2.f32 v62;
	v35 =	vpop (erf)  }
0x112: {  	v37 =	vmul.f32 $1.442695020e+00, v48;
	v53 =	vld [tilespmem:s23+$0x4420];
	(erf) = vpow2.f32 v2;
	v32 =	vpop (erf)  }
0x113: {  	v30 =	vld [tilespmem:s23+$0x4C60];
	v2 =	vmul.f32 $1.442695020e+00, v61;
	(erf) = vpow2.f32 v49;
	v33 =	vpop (erf)  }
0x114: {  	s30 =	sand.u32 $0x7, s22;
	v55 =	vld [tilespmem:s23+$0x4430];
	v54 =	vmul.f32 $1.442695020e+00, v63;
	(erf) = vpow2.f32 v51;
	v34 =	vpop (erf)  }
0x115: {  	s24 =	sshll.u32 s30, $0x7;
	v56 =	vld [tilespmem:s23+$0x4440];
	v59 =	vmul.f32 $1.442695020e+00, v52;
	(erf) = vpow2.f32 v2;
	v43 =	vpop (erf)  }
0x116: {  	s24 =	sadd.s32 $0x0, s24;
	v58 =	vld [tilespmem:s23+$0x4450];
	v2 =	vmul.f32 $1.442695020e+00, v50;
	(erf) = vpow2.f32 v54;
	v44 =	vpop (erf)  }
0x117: {  	s31 =	sor.u32 $0x1C00, s24;
	v49 =	vld [tilespmem:s23+$0x4460];
	v46 =	vmul.f32 $1.442695020e+00, v53;
	(erf) = vpow2.f32 v37;
	v37 =	vpop (erf)  }
0x118: {  	s25 =	sor.u32 $0x1C10, s24;
	v30 =	vmul.f32 $1.442695020e+00, v30;
	v60 =	vld [tilespmem:s31+$0x4000];
	(erf) = vpow2.f32 v2;
	v41 =	vpop (erf)  }
0x119: {  	v62 =	vld [tilespmem:s25+$0x4000];
	v2 =	vmul.f32 $1.442695020e+00, v55;
	(erf) = vpow2.f32 v59;
	v42 =	vpop (erf)  }
0x11a: {  	s26 =	sor.u32 $0x1C20, s24;
	v61 =	vmul.f32 $1.442695020e+00, v56;
	v50 =	vld [tilespmem:s23+$0x4860];
	v45 =	vpop (erf);
	(erf) = vpow2.f32 v46  }
0x11b: {  	s28 =	sor.u32 $0x1C30, s24;
	v63 =	vmul.f32 $1.442695020e+00, v58;
	v58 =	vld [tilespmem:s26+$0x4000];
	v46 =	vpop (erf);
	(erf) = vpow2.f32 v2  }
0x11c: {  	s29 =	sor.u32 $0x1C40, s24;
	v53 =	vld [tilespmem:s28+$0x4000];
	v2 =	vmul.f32 $1.442695020e+00, v49;
	v47 =	vpop (erf);
	(erf) = vpow2.f32 v61  }
0x11d: {  	s30 =	sor.u32 $0x1C50, s24;
	v38 =	vmul.f32 $1.442695020e+00, v60;
	v54 =	vld [tilespmem:s29+$0x4000];
	v48 =	vpop (erf);
	(erf) = vpow2.f32 v63  }
0x11e: {  	s31 =	sor.u32 $0x1C58, s24;
	v39 =	vmul.f32 $1.442695020e+00, v62;
	v55 =	vld [tilespmem:s30+$0x4000];
	v49 =	vpop (erf);
	(erf) = vpow2.f32 v2  }
0x11f: {  	s24 =	simm.s32 $0x1;
	v56 =	vld [tilespmem:s31+$0x4000];
	v52 =	vmul.f32 $1.442695020e+00, v50;
	v50 =	vpop (erf);
	(erf) = vpow2.f32 v40  }
0x120: {  	s26 =	simm.s32 $0x0;
	s25 =	simm.s32 $0x0;
	s23 =	simm.s32 $0x0;
	v2 =	vimm.f32 $0.0e+00;
	v40 =	vmul.f32 $1.442695020e+00, v58;
	v51 =	vpop (erf);
	(erf) = vpow2.f32 v57  }
.LBB2_5:
0x121: {  	p0 =	sne.s32 s24, $0xF;
	v53 =	vmul.f32 $1.442695020e+00, v53;
	v57 =	vpop (erf);
	(erf) = vpow2.f32 v36  }
0x122: {  	v36 =	vmul.f32 $1.442695020e+00, v54;
	v54 =	vpop (erf);
	(erf) = vpow2.f32 v52  }
0x123: {  	v52 =	vmul.f32 $1.442695020e+00, v55;
	v55 =	vpop (erf);
	(erf) = vpow2.f32 v27  }
0x124: {  	v27 =	vadd.f32 v44, v43;
	v43 =	vmul.f32 $1.442695020e+00, v56;
	v44 =	vpop (erf);
	(erf) = vpow2.f32 v28  }
0x125: {  	v28 =	vadd.f32 v57, v45;
	v45 =	vadd.f32 v54, v46;
	v46 =	vpop (erf);
	(erf) = vpow2.f32 v29  }
0x126: {  	v29 =	vadd.f32 v55, v47;
	v44 =	vadd.f32 v44, v48;
	v47 =	vpop (erf);
	(erf) = vpow2.f32 v30  }
0x127: {  	v30 =	vadd.f32 v46, v49;
	v46 =	vadd.f32 v47, v50;
	v47 =	vpop (erf);
	(erf) = vpow2.f32 v19  }
0x128: {  	v27 =	vadd.f32 v35, v27;
	v19 =	vadd.f32 v47, v51;
	v35 =	vpop (erf);
	(erf) = vpow2.f32 v18  }
0x129: {  	v18 =	vadd.f32 v37, v28;
	v28 =	vadd.f32 v41, v45;
	v37 =	vpop (erf);
	(erf) = vpow2.f32 v17  }
0x12a: {  	v17 =	vadd.f32 v42, v29;
	v29 =	vadd.f32 v35, v44;
	v35 =	vpop (erf);
	(erf) = vpow2.f32 v16  }
0x12b: {  	v16 =	vadd.f32 v37, v30;
	v30 =	vadd.f32 v35, v46;
	v35 =	vpop (erf);
	(erf) = vpow2.f32 v12  }
0x12c: {  	s22 =	sadd.s32 $0x80, s22;
	s25 =	sadd.s32 $0x400, s25;
	v12 =	vadd.f32 v35, v19;
	v19 =	vadd.f32 v31, v27;
	v27 =	vpop (erf);
	(erf) = vpow2.f32 v11  }
0x12d: {  	s28 =	sand.u32 $0x2000, s25;
	s29 =	sand.u32 $0x380, s22;
	v11 =	vadd.f32 v32, v18;
	v18 =	vadd.f32 v33, v28;
	v28 =	vpop (erf);
	(erf) = vpow2.f32 v8  }
0x12e: {  	s28 =	sor.u32 s29, s28;
	v8 =	vadd.f32 v34, v17;
	v17 =	vadd.f32 v27, v29;
	v27 =	vpop (erf);
	(erf) = vpow2.f32 v6  }
0x12f: {  	v16 =	vadd.f32 v28, v16;
	v6 =	vld [tilespmem:s28+$0x5870];
	v27 =	vadd.f32 v27, v30;
	v28 =	vpop (erf);
	(erf) = vpow2.f32 v38  }
0x130: {  	v19 =	vadd.f32 v23, v19;
	v29 =	vld [tilespmem:s28+$0x5470];
	v12 =	vadd.f32 v28, v12;
	v23 =	vpop (erf);
	(erf) = vpow2.f32 v39  }
0x131: {  	v11 =	vadd.f32 v24, v11;
	v18 =	vadd.f32 v25, v18;
	v28 =	vld [tilespmem:s28+$0x5800];
	v24 =	vpop (erf);
	(erf) = vpow2.f32 v40  }
0x132: {  	v8 =	vadd.f32 v26, v8;
	v17 =	vadd.f32 v23, v17;
	v25 =	vld [tilespmem:s28+$0x5810];
	v23 =	vpop (erf);
	(erf) = vpow2.f32 v53  }
0x133: {  	v16 =	vadd.f32 v24, v16;
	v26 =	vld [tilespmem:s28+$0x5820];
	v23 =	vadd.f32 v23, v27;
	v24 =	vpop (erf);
	(erf) = vpow2.f32 v36  }
0x134: {  	v14 =	vadd.f32 v14, v19;
	v27 =	vld [tilespmem:s28+$0x5830];
	v12 =	vadd.f32 v24, v12;
	v19 =	vpop (erf);
	(erf) = vpow2.f32 v43  }
0x135: {  	v11 =	vadd.f32 v20, v11;
	v18 =	vadd.f32 v21, v18;
	v24 =	vld [tilespmem:s28+$0x5840];
	v20 =	vpop (erf);
	(erf) = vpow2.f32 v52  }
0x136: {  	v30 =	vmul.f32 $1.442695020e+00, v6;
	v6 =	vadd.f32 v22, v8;
	v8 =	vadd.f32 v19, v17;
	v21 =	vld [tilespmem:s28+$0x5850];
	v17 =	vpop (erf)  }
0x137: {  	v19 =	vmul.f32 $1.442695020e+00, v29;
	v16 =	vadd.f32 v20, v16;
	v22 =	vld [tilespmem:s28+$0x5860];
	v17 =	vadd.f32 v17, v23;
	v20 =	vpop (erf)  }
0x138: {  	v3 =	vadd.f32 v3, v14;
	v28 =	vmul.f32 $1.442695020e+00, v28;
	v23 =	vld [tilespmem:s28+$0x5070];
	v12 =	vadd.f32 v20, v12;
	v14 =	vpop (erf)  }
0x139: {  	v4 =	vadd.f32 v4, v11;
	v5 =	vadd.f32 v5, v18;
	v25 =	vmul.f32 $1.442695020e+00, v25;
	v20 =	vld [tilespmem:s28+$0x5400];
	v11 =	vpop (erf)  }
0x13a: {  	v6 =	vadd.f32 v7, v6;
	v7 =	vadd.f32 v9, v8;
	v26 =	vmul.f32 $1.442695020e+00, v26;
	v18 =	vld [tilespmem:s28+$0x5410];
	v8 =	vpop (erf)  }
0x13b: {  	v10 =	vadd.f32 v10, v16;
	v27 =	vmul.f32 $1.442695020e+00, v27;
	v13 =	vadd.f32 v13, v17;
	v9 =	vld [tilespmem:s28+$0x5420];
	v16 =	vpop (erf)  }
0x13c: {  	v4 =	vadd.f32 v14, v4;
	v24 =	vmul.f32 $1.442695020e+00, v24;
	v12 =	vadd.f32 v15, v12;
	v17 =	vld [tilespmem:s28+$0x5430];
	v14 =	vpop (erf)  }
0x13d: {  	v5 =	vadd.f32 v11, v5;
	v21 =	vmul.f32 $1.442695020e+00, v21;
	v6 =	vadd.f32 v8, v6;
	v15 =	vld [tilespmem:s28+$0x5440];
	v8 =	vpop (erf)  }
0x13e: {  	v7 =	vadd.f32 v16, v7;
	v10 =	vadd.f32 v14, v10;
	v29 =	vld [tilespmem:s28+$0x5450];
	v8 =	vsel vm0, $0x0, v8;
	v11 =	vpop (erf)  }
0x13f: {  	v22 =	vmul.f32 $1.442695020e+00, v22;
	v14 =	vld [tilespmem:s28+$0x5460];
	v11 =	vadd.f32 v11, v13;
	v8 =	vadd.f32 v8, v12  }
0x140: {  	v4 =	vadd.f32 v5, v4;
	v23 =	vmul.f32 $1.442695020e+00, v23;
	v5 =	vadd.f32 v7, v6;
	v13 =	vld [tilespmem:s28+$0x4C70]  }
0x141: {  	v20 =	vmul.f32 $1.442695020e+00, v20;
	v7 =	vld [tilespmem:s28+$0x5000];
	v6 =	vadd.f32 v11, v10;
	v3 =	vadd.f32 v8, v3  }
0x142: {  	v31 =	vmul.f32 $1.442695020e+00, v18;
	v9 =	vmul.f32 $1.442695020e+00, v9;
	v10 =	vld [tilespmem:s28+$0x5010]  }
0x143: {  	v4 =	vadd.f32 v5, v4;
	v12 =	vmul.f32 $1.442695020e+00, v17;
	v16 =	vld [tilespmem:s28+$0x5020];
	v3 =	vadd.f32 v3, v6  }
0x144: {  	v11 =	vmul.f32 $1.442695020e+00, v15;
	v8 =	vmul.f32 $1.442695020e+00, v29;
	v5 =	vld [tilespmem:s28+$0x5030]  }
0x145: {  	v6 =	vmul.f32 $1.442695020e+00, v14;
	v15 =	vld [tilespmem:s28+$0x5040];
	(erf) = vpow2.f32 v30;
	v3 =	vadd.f32 v3, v4  }
0x146: {  	v13 =	vmul.f32 $1.442695020e+00, v13;
	v4 =	vld [tilespmem:s28+$0x5050];
	(erf) = vpow2.f32 v19  }
0x147: {  	v30 =	vmul.f32 $1.442695020e+00, v7;
	v7 =	vld [tilespmem:s28+$0x5060];
	(erf) = vpow2.f32 v28;
	(xrf2) =	vadd.scan.msk.f32 $0xffff, v3  }
0x148: {  	v10 =	vmul.f32 $1.442695020e+00, v10;
	v3 =	vld [tilespmem:s28+$0x4870];
	v32 =	vmul.f32 $1.442695020e+00, v16  }
0x149: {  	v14 =	vld [tilespmem:s28+$0x4C00];
	v19 =	vmul.f32 $1.442695020e+00, v5;
	(erf) = vpow2.f32 v25  }
0x14a: {  	v5 =	vld [tilespmem:s28+$0x4C10];
	v18 =	vmul.f32 $1.442695020e+00, v15;
	(erf) = vpow2.f32 v26  }
0x14b: {  	v15 =	vld [tilespmem:s28+$0x4C20];
	v17 =	vmul.f32 $1.442695020e+00, v4;
	(erf) = vpow2.f32 v27  }
0x14c: {  	v25 =	vld [tilespmem:s28+$0x4C30];
	v16 =	vmul.f32 $1.442695020e+00, v7;
	(erf) = vpow2.f32 v24  }
0x14d: {  	v24 =	vmul.f32 $1.442695020e+00, v3;
	(erf) = vpow2.f32 v21  }
0x14e: {  	v21 =	vmul.f32 $1.442695020e+00, v14;
	v7 =	vld [tilespmem:s28+$0x4C40];
	(erf) = vpow2.f32 v22;
	v3 =	vpop (erf)  }
0x14f: {  	v22 =	vmul.f32 $1.442695020e+00, v5;
	v26 =	vld [tilespmem:s28+$0x4C50];
	(erf) = vpow2.f32 v23;
	v14 =	vpop (erf)  }
0x150: {  	v33 =	vmul.f32 $1.442695020e+00, v15;
	v15 =	vld [tilespmem:s28+$0x4C60];
	(erf) = vpow2.f32 v20;
	v4 =	vpop (erf)  }
0x151: {  	v20 =	vld [tilespmem:s28+$0x4070];
	v27 =	vmul.f32 $1.442695020e+00, v25;
	(erf) = vpow2.f32 v31;
	v23, _, _ =	vpop (xrf2)  }
0x152: {  	v35 =	vmov s23;
	s23 =	smov.u32 s24;
	v25 =	vld [tilespmem:s28+$0x4470];
	(erf) = vpow2.f32 v9;
	v5 =	vpop (erf);
	v23 =	vbroadcast v23, $0xF  }
0x153: {  	vm1 =	veq.s32 v35, v0;
	v31 =	vld [tilespmem:s28+$0x4800];
	v28 =	vmul.f32 $1.442695020e+00, v7;
	(erf) = vpow2.f32 v13;
	v7 =	vpop (erf)  }
0x154: {  	v34 =	vld [tilespmem:s28+$0x4810];
	v29 =	vmul.f32 $1.442695020e+00, v26;
	(erf) = vpow2.f32 v30;
	v9 =	vpop (erf);
	v2 =	vsel vm1, v23, v2  }
0x155: {  	v26 =	vld [tilespmem:s28+$0x4820];
	v30 =	vmul.f32 $1.442695020e+00, v15;
	(erf) = vpow2.f32 v10;
	v10 =	vpop (erf)  }
0x156: {  	v35 =	vmul.f32 $1.442695020e+00, v20;
	v36 =	vld [tilespmem:s28+$0x4830];
	(erf) = vpow2.f32 v32;
	v13 =	vpop (erf)  }
0x157: {  	v25 =	vmul.f32 $1.442695020e+00, v25;
	v32 =	vld [tilespmem:s28+$0x4840];
	(erf) = vpow2.f32 v24;
	v15 =	vpop (erf)  }
0x158: {  	v24 =	vmul.f32 $1.442695020e+00, v31;
	v37 =	vld [tilespmem:s28+$0x4850];
	(erf) = vpow2.f32 v21;
	v23 =	vpop (erf)  }
0x159: {  	v38 =	vld [tilespmem:s28+$0x4000];
	v34 =	vmul.f32 $1.442695020e+00, v34;
	(erf) = vpow2.f32 v22;
	v20 =	vpop (erf)  }
0x15a: {  	v39 =	vld [tilespmem:s28+$0x4010];
	v26 =	vmul.f32 $1.442695020e+00, v26;
	(erf) = vpow2.f32 v33;
	v21 =	vpop (erf)  }
0x15b: {  	v33 =	vld [tilespmem:s28+$0x4020];
	v40 =	vmul.f32 $1.442695020e+00, v36;
	(erf) = vpow2.f32 v35;
	v22 =	vpop (erf)  }
0x15c: {  	v41 =	vld [tilespmem:s28+$0x4030];
	v57 =	vmul.f32 $1.442695020e+00, v32;
	(erf) = vpow2.f32 v25;
	v31 =	vpop (erf)  }
0x15d: {  	v42 =	vld [tilespmem:s28+$0x4040];
	v36 =	vmul.f32 $1.442695020e+00, v37;
	(erf) = vpow2.f32 v24;
	v24 =	vpop (erf)  }
0x15e: {  	v43 =	vmul.f32 $1.442695020e+00, v38;
	v37 =	vld [tilespmem:s28+$0x4050];
	(erf) = vpow2.f32 v34;
	v25 =	vpop (erf)  }
0x15f: {  	v34 =	vmul.f32 $1.442695020e+00, v39;
	v38 =	vld [tilespmem:s28+$0x4060];
	(erf) = vpow2.f32 v26;
	v26 =	vpop (erf)  }
0x160: {  	v44 =	vmul.f32 $1.442695020e+00, v33;
	v39 =	vld [tilespmem:s28+$0x4400];
	(erf) = vpow2.f32 v43;
	v35 =	vpop (erf)  }
0x161: {  	v41 =	vmul.f32 $1.442695020e+00, v41;
	v45 =	vld [tilespmem:s28+$0x4410];
	(erf) = vpow2.f32 v34;
	v32 =	vpop (erf)  }
0x162: {  	v42 =	vmul.f32 $1.442695020e+00, v42;
	v46 =	vld [tilespmem:s28+$0x4420];
	(erf) = vpow2.f32 v44;
	v33 =	vpop (erf)  }
0x163: {  	s26 =	sadd.s32 $0x1, s26;
	v51 =	vmul.f32 $1.442695020e+00, v37;
	v47 =	vld [tilespmem:s28+$0x4430];
	(erf) = vpow2.f32 v41;
	v34 =	vpop (erf)  }
0x164: {  	s29 =	sand.u32 $0x7, s26;
	v38 =	vmul.f32 $1.442695020e+00, v38;
	v48 =	vld [tilespmem:s28+$0x4440];
	(erf) = vpow2.f32 v42;
	v43 =	vpop (erf)  }
0x165: {  	s29 =	sshll.u32 s29, $0x7;
	v39 =	vmul.f32 $1.442695020e+00, v39;
	v49 =	vld [tilespmem:s28+$0x4450];
	(erf) = vpow2.f32 v51;
	v44 =	vpop (erf)  }
0x166: {  	s29 =	sadd.s32 s29, s25;
	v52 =	vmul.f32 $1.442695020e+00, v45;
	v50 =	vld [tilespmem:s28+$0x4460];
	(erf) = vpow2.f32 v38;
	v37 =	vpop (erf)  }
0x167: {  	v38 =	vmul.f32 $1.442695020e+00, v46;
	v51 =	vld [tilespmem:s28+$0x4860];
	s28 =	sor.u32 $0x1C00, s29;
	(erf) = vpow2.f32 v39;
	v41 =	vpop (erf)  }
0x168: {  	v39 =	vmul.f32 $1.442695020e+00, v47;
	v55 =	vld [tilespmem:s28+$0x4000];
	s28 =	sor.u32 $0x1C10, s29;
	(erf) = vpow2.f32 v52;
	v42 =	vpop (erf)  }
0x169: {  	v59 =	vmul.f32 $1.442695020e+00, v48;
	v56 =	vld [tilespmem:s28+$0x4000];
	s28 =	sor.u32 $0x1C20, s29;
	v45 =	vpop (erf);
	(erf) = vpow2.f32 v38  }
0x16a: {  	v38 =	vmul.f32 $1.442695020e+00, v49;
	v58 =	vld [tilespmem:s28+$0x4000];
	s28 =	sor.u32 $0x1C30, s29;
	v46 =	vpop (erf);
	(erf) = vpow2.f32 v39  }
.Ltmp1:
0x16b: {  	v39 =	vmul.f32 $1.442695020e+00, v50;
	v53 =	vld [tilespmem:s28+$0x4000];
	s28 =	sor.u32 $0x1C40, s29;
	v47 =	vpop (erf);
	(erf) = vpow2.f32 v59;
	(pc) =	sbr.rel @p0 .LBB2_5-.Ltmp1, $4  }
0x16c: {  	v52 =	vmul.f32 $1.442695020e+00, v51;
	v54 =	vld [tilespmem:s28+$0x4000];
	s28 =	sor.u32 $0x1C50, s29;
	v48 =	vpop (erf);
	(erf) = vpow2.f32 v38  }
0x16d: {  	v38 =	vmul.f32 $1.442695020e+00, v55;
	v55 =	vld [tilespmem:s28+$0x4000];
	s28 =	sor.u32 $0x1C58, s29;
	v49 =	vpop (erf);
	(erf) = vpow2.f32 v39  }
0x16e: {  	v39 =	vmul.f32 $1.442695020e+00, v56;
	v56 =	vld [tilespmem:s28+$0x4000];
	v50 =	vpop (erf);
	(erf) = vpow2.f32 v40  }
0x16f: {  	s24 =	sadd.s32 $0x1, s24;
	v40 =	vmul.f32 $1.442695020e+00, v58;
	v51 =	vpop (erf);
	(erf) = vpow2.f32 v57  }
0x170: {  	v53 =	vmul.f32 $1.442695020e+00, v53;
	v57 =	vpop (erf);
	(erf) = vpow2.f32 v36  }
0x171: {  	v36 =	vmul.f32 $1.442695020e+00, v54;
	v61 =	vpop (erf);
	(erf) = vpow2.f32 v52  }
0x172: {  	v52 =	vmul.f32 $1.442695020e+00, v55;
	v62 =	vpop (erf);
	(erf) = vpow2.f32 v27  }
0x173: {  	v27 =	vadd.f32 v44, v43;
	v54 =	vadd.f32 v61, v46;
	v63 =	vpop (erf);
	(erf) = vpow2.f32 v28  }
0x174: {  	v43 =	vmul.f32 $1.442695020e+00, v56;
	v28 =	vadd.f32 v57, v45;
	v56 =	vpop (erf);
	(erf) = vpow2.f32 v29  }
0x175: {  	v57 =	vadd.f32 v62, v47;
	v44 =	vadd.f32 v63, v48;
	v58 =	vpop (erf);
	(erf) = vpow2.f32 v30  }
0x176: {  	v27 =	vadd.f32 v35, v27;
	v48 =	vadd.f32 v41, v54;
	v61 =	vpop (erf);
	(erf) = vpow2.f32 v19  }
0x177: {  	v47 =	vadd.f32 v37, v28;
	v60 =	vadd.f32 v58, v50;
	v63 =	vpop (erf);
	(erf) = vpow2.f32 v18  }
0x178: {  	v59 =	vadd.f32 v56, v49;
	v50 =	vadd.f32 v42, v57;
	v49 =	vpop (erf);
	(erf) = vpow2.f32 v17  }
0x179: {  	v62 =	vadd.f32 v61, v51;
	v61 =	vadd.f32 v32, v47;
	v54 =	vpop (erf);
	(erf) = vpow2.f32 v16  }
0x17a: {  	v51 =	vadd.f32 v63, v44;
	v55 =	vadd.f32 v49, v59;
	v57 =	vpop (erf);
	(erf) = vpow2.f32 v12  }
0x17b: {  	v59 =	vadd.f32 v31, v27;
	v56 =	vadd.f32 v54, v60;
	v60 =	vpop (erf);
	(erf) = vpow2.f32 v11  }
0x17c: {  	v32 =	vadd.f32 v34, v50;
	v58 =	vadd.f32 v57, v62;
	v63 =	vpop (erf);
	(erf) = vpow2.f32 v8  }
0x17d: {  	v62 =	vadd.f32 v33, v48;
	v19 =	vadd.f32 v23, v59;
	v34 =	vpop (erf);
	(erf) = vpow2.f32 v6  }
0x17e: {  	v11 =	vadd.f32 v24, v61;
	v33 =	vadd.f32 v60, v51;
	v41 =	vpop (erf);
	(erf) = vpow2.f32 v38  }
0x17f: {  	v8 =	vadd.f32 v26, v32;
	v35 =	vadd.f32 v63, v55;
	v42 =	vpop (erf);
	(erf) = vpow2.f32 v39  }
0x180: {  	v18 =	vadd.f32 v25, v62;
	v14 =	vadd.f32 v14, v19;
	v44 =	vpop (erf);
	(erf) = vpow2.f32 v40  }
0x181: {  	v11 =	vadd.f32 v20, v11;
	v37 =	vadd.f32 v34, v56;
	v45 =	vpop (erf);
	(erf) = vpow2.f32 v53  }
0x182: {  	v8 =	vadd.f32 v22, v8;
	v12 =	vadd.f32 v41, v58;
	v46 =	vpop (erf);
	(erf) = vpow2.f32 v36  }
0x183: {  	v18 =	vadd.f32 v21, v18;
	v3 =	vadd.f32 v3, v14;
	v47 =	vpop (erf);
	(erf) = vpow2.f32 v43  }
0x184: {  	v4 =	vadd.f32 v4, v11;
	v17 =	vadd.f32 v42, v33;
	v48 =	vpop (erf);
	(erf) = vpow2.f32 v52  }
0x185: {  	v7 =	vadd.f32 v7, v8;
	v6 =	vadd.f32 v44, v35;
	v49 =	vpop (erf)  }
0x186: {  	v5 =	vadd.f32 v5, v18;
	v16 =	vadd.f32 v45, v37;
	v50 =	vpop (erf)  }
0x187: {  	v12 =	vadd.f32 v46, v12;
	v17 =	vadd.f32 v47, v17;
	v51 =	vpop (erf)  }
0x188: {  	v6 =	vadd.f32 v48, v6;
	v16 =	vadd.f32 v49, v16;
	v52 =	vpop (erf)  }
0x189: {  	v53 =	vadd.f32 v9, v17;
	v12 =	vadd.f32 v50, v12;
	v54 =	vpop (erf)  }
0x18a: {  	v6 =	vadd.f32 v10, v6;
	v55 =	vadd.f32 v13, v16;
	v56 =	vpop (erf)  }
0x18b: {  	v4 =	vadd.f32 v51, v4;
	v12 =	vadd.f32 v15, v12;
	v57 =	vpop (erf)  }
0x18c: {  	v5 =	vadd.f32 v52, v5;
	v7 =	vadd.f32 v54, v7;
	v58 =	vpop (erf)  }
0x18d: {  	v8 =	vadd.f32 v56, v53;
	v6 =	vadd.f32 v57, v6;
	v9 =	vsel vm0, $0x0, v58;
	v59 =	vpop (erf)  }
0x18e: {  	v10 =	vadd.f32 v59, v55;
	v9 =	vadd.f32 v9, v12  }
0x18f: {  	v4 =	vadd.f32 v5, v4;
	v60 =	vadd.f32 v8, v7  }
0x190: {  	v6 =	vadd.f32 v10, v6;
	v3 =	vadd.f32 v9, v3;
	_ =	sdelay $0x1  }
0x191: {  	v4 =	vadd.f32 v60, v4;
	v3 =	vadd.f32 v3, v6;
	_ =	sdelay $0x1  }
0x192: {  	v3 =	vadd.f32 v3, v4;
	_ =	sdelay $0x1  }
0x193: {  	(xrf2) =	vadd.scan.msk.f32 $0xffff, v3;
	_ =	sdelay $0x1  }
0x194: {  	v3 =	vld [tilespmem:s20+$0x8210];
	_ =	sdelay $0x4  }
0x195: {  	v61 =	vshll.u32 v3, $0x3  }
0x196: {  	v3 =	vand.u32 $0x7F, v3;
	v4 =	vand.u32 $0xFFFFFC00, v61  }
0x197: {  	v3 =	vor.u32 v3, v4  }
0x198: {  	v3 =	vadd.s32 v1, v3;
	v62, _, _ =	vpop (xrf2)  }
0x199: {  	v63 =	vmov s23;
	v4 =	vbroadcast v62, $0xF  }
0x19a: {  	vm1 =	veq.s32 v63, v0  }
0x19b: {  	v2 =	vsel vm1, v4, v2  }
0x19c: {  	[tilespmem:s20+$0x8010] =	vst v2  }
0x19d: {  	s19 =	sadd.s32 $0x1, s19;
	v2 =	vld.idx.msk [tilespmem:v3+s13+$0x0], $0xffff  }
0x19e: {  	p0 =	sne.s32 s19, $0x8  }
.Ltmp2:
0x19f: {  	_ = 	snop;
	(pc) =	sbr.rel @p0 .LBB2_2-.Ltmp2, $4  }
0x1a0: {  	s21 =	smin.u32 s21, $0xC  }
0x1a1: {  	s21 =	sshll.u32 s21, $0xB  }
0x1a2: {  	s31 =	sadd.s32 s21, s6;
	[tilespmem:s20+$0x8110] =	vst v2  }
0x1a3: {  	[tilespmem:s13], [sflag:$0x2] =	stream.linear.gather [hbm4b:s31+s2], $0x4000, $0x38;
	[tilespmem:$0x8300] =	vst v63  }
0x1a4: {  	_ =	swait.ge [sflag:s14], $0x4000  }
0x1a5: {  	[sflag:s14] =	ssyncset.done $0x0  }
0x1a6: {  	[sflag:s14] =	ssyncadd.s32 $0xFFFFC000  }
0x1a7: {  	_ =	swait.ge [sflag:s15], $0x4000  }
0x1a8: {  	[sflag:s15] =	ssyncset.done $0x0  }
0x1a9: {  	[sflag:s15] =	ssyncadd.s32 $0xFFFFC000  }
0x1aa: {  	[hbm4b:s8+s2] =	stream.linear.scatter [tilespmem:s16], [sflag:$0x3], $0x100, $0x38;
	[tilespmem:$0x8300] =	vst v63  }
0x1ab: {  	s18 =	sadd.s32 $0x1, s18;
	_ =	swait.ge [sflag:s12], $0x100  }
0x1ac: {  	p0 =	sne.s32 s18, s10;
	[sflag:s12] =	ssyncset.done $0x0  }
.Ltmp3:
0x1ad: {  	[sflag:s12] =	ssyncadd.s32 $0xFFFFFF00;
	(pc) =	sbr.rel @p0 .LBB2_1-.Ltmp3, $4  }
0x1ae: {  	[hbm4b:s9+s2] =	stream.linear.scatter [tilespmem:s17], [sflag:$0x3], $0x100, $0x38;
	[tilespmem:$0x8300] =	vst v63  }
0x1af: {  	_ =	swait.ge [sflag:s12], $0x100  }
0x1b0: {  	[sflag:s12] =	ssyncset.done $0x0  }
0x1b1: {  	[sflag:s12] =	ssyncadd.s32 $0xFFFFFF00  }
0x1b2: {  	_ =	sfence.sel $0x180000  }
0x1b3: {  	[bflag:$0x0] =	sbarrier.arrive $0xFFFF  }
0x1b4: {  	p0 =	sne.s32 s1, $0x0;
	_ =	strace $0x90000047  }
0x1b5: {  	s0 =	sadd.s32 @!p0 $0x100000, s0;
	[bflag:$0x2] =	sbarrier.arrive $0xFFFF  }
0x1b6: {  	[sflag:s0] =	ssyncadd.tile.s32 @!p0 $0x1;
	_ =	shalt  }
.Lfunc_end2:
_tile_overlayer_lowered:
.L_overlay_start_2:
0x1b7: {  	(tag) =	ssettag $0x2  }
0x1b8: {  	s0 =	rddreg [dreg:$0x0];
	s2 =	stileid.u32  }
0x1b9: {  	s1 =	rddreg [dreg:$0x1];
	p0 =	sne.s32 s2, $0x0  }
0x1ba: {  	s3 =	rddreg [dreg:$0x2];
	[bflag:$0x3] =	sbarrier.arrive $0xFFFF;
	s2 =	simm.s32 @!p0 $0x1C03  }
0x1bb: {  	[timem:s3], [sflag:s2] =	dma.local @!p0 [hbm:s0], s1  }
0x1bc: {  	s0 =	simm.s32 @!p0 $0x3  }
0x1bd: {  	_ =	swait.ge @!p0 [sflag:s0], s1  }
0x1be: {  	s1 =	ssub.s32 @!p0 $0x0, s1;
	[sflag:s0] =	ssyncset.done @!p0 $0x0  }
0x1bf: {  	[sflag:s0] =	ssyncadd.s32 @!p0 s1  }
0x1c0: {  	[bflag:$0x3] =	sbarrier.arrive $0xFFFF  }
0x1c1: {  	_ =	shalt  }

</sc_bundles>
